<compile_context>
chip_gen: v7x
topology: tpu7x:2x2x1
jax: 0.10.2.dev20260603
libtpu: 0.0.44.dev20260713+nightly
codegen_flags: <defaults>
</compile_context>

<pallas_src>
import functools

import jax
import jax.numpy as jnp
from jax import lax
from jax.experimental import pallas as pl
from jax.experimental.pallas import tpu as pltpu
from jax.experimental.pallas import tpu_sc as plsc

N = 10000
E = 320000
D = 128

NC = 2
NS = 16
NW = NC * NS
NP = 10240
ROWS_PER_SUB = NP // NS
EDGES_PER_W = E // NW

EDGE_C = 184
EDGE_CHUNKS = 54
TAIL_C = EDGES_PER_W - EDGE_CHUNKS * EDGE_C

DEG_C = 200
DEG_CHUNKS = EDGES_PER_W // DEG_C

_MESH = plsc.VectorSubcoreMesh(core_axis_name="c", subcore_axis_name="s")

ROW_B = 1000
GRID = N // ROW_B



def _deg_body(dst_hbm, zeros_hbm, ones_hbm, out_hbm, idx_v, ones_v, acc_sh,
              sem):
    c = lax.axis_index("c")
    s = lax.axis_index("s")
    wid = c * NS + s
    pltpu.sync_copy(zeros_hbm, acc_sh.at[pl.ds(s * ROWS_PER_SUB, ROWS_PER_SUB)])
    pltpu.sync_copy(ones_hbm, ones_v)
    plsc.subcore_barrier()

    @pl.loop(0, DEG_CHUNKS)
    def _(i):
        base = wid * EDGES_PER_W + i * DEG_C
        pltpu.sync_copy(dst_hbm.at[pl.ds(base, DEG_C)], idx_v)
        pltpu.sync_copy(ones_v, acc_sh.at[idx_v], add=True)

    plsc.subcore_barrier()
    pltpu.sync_copy(acc_sh.at[pl.ds(s * ROWS_PER_SUB, ROWS_PER_SUB)],
                    out_hbm.at[c].at[pl.ds(s * ROWS_PER_SUB, ROWS_PER_SUB)])


def _degree_histogram(dst):
    zeros = jnp.zeros((ROWS_PER_SUB, 16), jnp.float32)
    ones = jnp.ones((DEG_C, 16), jnp.float32)
    return pl.kernel(
        _deg_body,
        out_type=jax.ShapeDtypeStruct((NC, NP, 16), jnp.float32),
        mesh=_MESH,
        scratch_types=[
            pltpu.VMEM((DEG_C,), jnp.int32),
            pltpu.VMEM((DEG_C, 16), jnp.float32),
            pltpu.VMEM_SHARED((NP, 16), jnp.float32),
            pltpu.SemaphoreType.DMA,
        ],
    )(dst, zeros, ones)


def _agg_body(g_hbm, src_hbm, dst_hbm, zeros_hbm, out_hbm, src0, src1,
              dst0, dst1, srct, dstt, rows0, rows1, acc_sh, sem0, sem1):
    c = lax.axis_index("c")
    s = lax.axis_index("s")
    wid = c * NS + s
    pltpu.sync_copy(zeros_hbm, acc_sh.at[pl.ds(s * ROWS_PER_SUB, ROWS_PER_SUB)])
    plsc.subcore_barrier()

    def idx(i, src_v, dst_v):
        base = wid * EDGES_PER_W + i * EDGE_C
        pltpu.sync_copy(src_hbm.at[pl.ds(base, EDGE_C)], src_v)
        pltpu.sync_copy(dst_hbm.at[pl.ds(base, EDGE_C)], dst_v)

    def scat(rows, dst_v):
        pltpu.sync_copy(rows, acc_sh.at[dst_v], add=True)

    @pl.loop(0, EDGE_CHUNKS // 2)
    def _(j):
        i0 = 2 * j
        idx(i0, src0, dst0)
        idx(i0 + 1, src1, dst1)
        d0 = pltpu.async_copy(g_hbm.at[src0], rows0, sem0)
        d1 = pltpu.async_copy(g_hbm.at[src1], rows1, sem1)
        d0.wait()
        scat(rows0, dst0)
        d1.wait()
        scat(rows1, dst1)

    tbase = wid * EDGES_PER_W + EDGE_CHUNKS * EDGE_C
    pltpu.sync_copy(src_hbm.at[pl.ds(tbase, TAIL_C)], srct)
    pltpu.sync_copy(dst_hbm.at[pl.ds(tbase, TAIL_C)], dstt)
    rows_t = rows0.at[pl.ds(0, TAIL_C)]
    pltpu.async_copy(g_hbm.at[srct], rows_t, sem0).wait()
    pltpu.sync_copy(rows_t, acc_sh.at[dstt], add=True)

    plsc.subcore_barrier()
    pltpu.sync_copy(acc_sh.at[pl.ds(s * ROWS_PER_SUB, ROWS_PER_SUB)],
                    out_hbm.at[c].at[pl.ds(s * ROWS_PER_SUB, ROWS_PER_SUB)])


def _aggregate(g, src, dst):
    zeros = jnp.zeros((ROWS_PER_SUB, D), jnp.float32)
    return pl.kernel(
        _agg_body,
        out_type=jax.ShapeDtypeStruct((NC, NP, D), jnp.float32),
        mesh=_MESH,
        scratch_types=[
            pltpu.VMEM((EDGE_C,), jnp.int32),
            pltpu.VMEM((EDGE_C,), jnp.int32),
            pltpu.VMEM((EDGE_C,), jnp.int32),
            pltpu.VMEM((EDGE_C,), jnp.int32),
            pltpu.VMEM((TAIL_C,), jnp.int32),
            pltpu.VMEM((TAIL_C,), jnp.int32),
            pltpu.VMEM((EDGE_C, D), jnp.float32),
            pltpu.VMEM((EDGE_C, D), jnp.float32),
            pltpu.VMEM_SHARED((NP, D), jnp.float32),
            pltpu.SemaphoreType.DMA,
            pltpu.SemaphoreType.DMA,
        ],
    )(g, src, dst, zeros)



def _pre_body(x_ref, dparts_ref, w1_ref, g1_ref, dinv_ref):
    deg = dparts_ref[0] + dparts_ref[1] + 1.0
    dinv = lax.rsqrt(deg)
    h = jnp.dot(x_ref[...], w1_ref[...], preferred_element_type=jnp.float32)
    g1_ref[...] = dinv[:, :1] * h
    dinv_ref[...] = dinv


def _pre(x, dparts, W1):
    return pl.pallas_call(
        _pre_body,
        grid=(GRID,),
        in_specs=[
            pl.BlockSpec((ROW_B, D), lambda i: (i, 0)),
            pl.BlockSpec((NC, ROW_B, 16), lambda i: (0, i, 0)),
            pl.BlockSpec((D, D), lambda i: (0, 0)),
        ],
        out_specs=[
            pl.BlockSpec((ROW_B, D), lambda i: (i, 0)),
            pl.BlockSpec((ROW_B, 16), lambda i: (i, 0)),
        ],
        out_shape=[
            jax.ShapeDtypeStruct((N, D), jnp.float32),
            jax.ShapeDtypeStruct((N, 16), jnp.float32),
        ],
    )(x, dparts, W1)


def _mid_body(parts_ref, g1_ref, dinv_ref, b_ref, w2_ref, g2_ref):
    dinv = dinv_ref[:, :1]
    z = dinv * (parts_ref[0] + parts_ref[1] + g1_ref[...]) + b_ref[...]
    h = jnp.maximum(z, 0.0)
    g2_ref[...] = dinv * jnp.dot(h, w2_ref[...],
                                 preferred_element_type=jnp.float32)


def _mid(parts, g1, dinv, b1, W2):
    return pl.pallas_call(
        _mid_body,
        grid=(GRID,),
        in_specs=[
            pl.BlockSpec((NC, ROW_B, D), lambda i: (0, i, 0)),
            pl.BlockSpec((ROW_B, D), lambda i: (i, 0)),
            pl.BlockSpec((ROW_B, 16), lambda i: (i, 0)),
            pl.BlockSpec((1, D), lambda i: (0, 0)),
            pl.BlockSpec((D, D), lambda i: (0, 0)),
        ],
        out_specs=pl.BlockSpec((ROW_B, D), lambda i: (i, 0)),
        out_shape=jax.ShapeDtypeStruct((N, D), jnp.float32),
    )(parts, g1, dinv, b1, W2)


def _fin_body(parts_ref, g2_ref, dinv_ref, b_ref, out_ref):
    dinv = dinv_ref[:, :1]
    z = dinv * (parts_ref[0] + parts_ref[1] + g2_ref[...]) + b_ref[...]
    out_ref[...] = jnp.maximum(z, 0.0)


def _fin(parts, g2, dinv, b2):
    return pl.pallas_call(
        _fin_body,
        grid=(GRID,),
        in_specs=[
            pl.BlockSpec((NC, ROW_B, D), lambda i: (0, i, 0)),
            pl.BlockSpec((ROW_B, D), lambda i: (i, 0)),
            pl.BlockSpec((ROW_B, 16), lambda i: (i, 0)),
            pl.BlockSpec((1, D), lambda i: (0, 0)),
        ],
        out_specs=pl.BlockSpec((ROW_B, D), lambda i: (i, 0)),
        out_shape=jax.ShapeDtypeStruct((N, D), jnp.float32),
    )(parts, g2, dinv, b2)



def kernel(x, edge_index, W1, b1, W2, b2):
    src = edge_index[0]
    dst = edge_index[1]
    dparts = _degree_histogram(dst)[:, :N]
    g1, dinv = _pre(x, dparts, W1)
    aparts = _aggregate(g1, src, dst)[:, :N]
    g2 = _mid(aparts, g1, dinv, b1.reshape(1, D), W2)
    qparts = _aggregate(g2, src, dst)[:, :N]
    return _fin(qparts, g2, dinv, b2.reshape(1, D))

# --- scband reference (transcript-rebuilt; emitter-appended) ---
"""Pipeline reference for scband-simple-gnn-35433480192527 (READ-ONLY COPY).

The authoritative reference and input builder live on the scoring server;
editing this copy changes nothing except your own understanding.
"""

import jax, jax.numpy as jnp
import numpy as np

N = 10000
E = 320000
D_IN = 128
D_HID = 128
D_OUT = 128


def setup_inputs(seed: int = 0) -> dict:
    key = jax.random.key(seed)
    k1, k2, k3, k4 = jax.random.split(key, 4)
    x = jax.random.normal(k1, (N, D_IN), dtype=jnp.float32)
    edge_index = jax.random.randint(k2, (2, E), 0, N, dtype=jnp.int32)
    # GCNConv linear weights (glorot-like init) and separate bias terms
    W1 = jax.random.normal(k3, (D_IN, D_HID), dtype=jnp.float32) * (1.0 / np.sqrt(D_IN))
    b1 = jnp.zeros((D_HID,), dtype=jnp.float32)
    W2 = jax.random.normal(k4, (D_HID, D_OUT), dtype=jnp.float32) * (1.0 / np.sqrt(D_HID))
    b2 = jnp.zeros((D_OUT,), dtype=jnp.float32)
    return {"x": x, "edge_index": edge_index, "W1": W1, "b1": b1, "W2": W2, "b2": b2}


def _gcn_conv(x, edge_index, W, b):
    # Faithful PyG GCNConv: add self-loops, symmetric normalization
    # out = D^{-1/2} (A + I) D^{-1/2} (x W) + b
    src = edge_index[0]
    dst = edge_index[1]
    loop = jnp.arange(N, dtype=src.dtype)
    src = jnp.concatenate([src, loop])
    dst = jnp.concatenate([dst, loop])
    deg = jnp.zeros((N,), dtype=x.dtype).at[dst].add(1.0)
    deg_inv_sqrt = jnp.where(deg > 0, 1.0 / jnp.sqrt(deg), 0.0)
    norm = deg_inv_sqrt[src] * deg_inv_sqrt[dst]
    h = x @ W
    msg = h[src] * norm[:, None]
    out = jax.ops.segment_sum(msg, dst, num_segments=N)
    return out + b


def reference(x, edge_index, W1, b1, W2, b2):
    h = jax.nn.relu(_gcn_conv(x, edge_index, W1, b1))
    out = jax.nn.relu(_gcn_conv(h, edge_index, W2, b2))
    return out

if __name__ == "__main__":
    import jax
    _d = setup_inputs()
    print(jax.jit(kernel)(*tuple(_d.values())))

</pallas_src>

<mosaic_0001>
#map = affine_map<(d0, d1) -> (0, 0)>
#map1 = affine_map<(d0, d1) -> (0)>
#map2 = affine_map<(d0, d1) -> (0, 0, 0)>
module attributes {stable_mosaic.version = 14 : i64} {
  func.func @_agg_body(%arg0: i32, %arg1: i32, %arg2: memref<10000x128xf32, #tpu.memory_space<hbm>>, %arg3: memref<320000xi32, #tpu.memory_space<hbm>>, %arg4: memref<320000xi32, #tpu.memory_space<hbm>>, %arg5: memref<640x128xf32, #tpu.memory_space<hbm>>, %arg6: memref<2x10240x128xf32, #tpu.memory_space<hbm>>, %arg7: memref<184xi32, #tpu.memory_space<vmem>>, %arg8: memref<184xi32, #tpu.memory_space<vmem>>, %arg9: memref<184xi32, #tpu.memory_space<vmem>>, %arg10: memref<184xi32, #tpu.memory_space<vmem>>, %arg11: memref<64xi32, #tpu.memory_space<vmem>>, %arg12: memref<64xi32, #tpu.memory_space<vmem>>, %arg13: memref<184x128xf32, #tpu.memory_space<vmem>>, %arg14: memref<184x128xf32, #tpu.memory_space<vmem>>, %arg15: memref<10240x128xf32, #tpu.memory_space<vmem_shared>>, %arg16: memref<!tpu.dma_semaphore, #tpu.memory_space<semaphore_mem>>, %arg17: memref<!tpu.dma_semaphore, #tpu.memory_space<semaphore_mem>>) attributes {dimension_semantics = [#tpu.dimension_semantics<core_parallel>, #tpu.dimension_semantics<subcore_parallel>], iteration_bounds = array<i64: 2, 16>, scalar_prefetch = 0 : i64, scratch_operands = 11 : i64, tpu.core_type = #tpu.core_type<sc_vector_subcore>, window_params = [{transform_indices = #map}, {transform_indices = #map1}, {transform_indices = #map1}, {transform_indices = #map}, {transform_indices = #map2}]} {
    %mul3A = arith.constant 16 : i32
    %mul3A_0 = arith.muli %arg0, %mul3A : i32
    %add3A = arith.addi %mul3A_0, %arg1 : i32
    %mul3A_1 = arith.constant 640 : i32
    %mul3A_2 = arith.muli %arg1, %mul3A_1 : i32
    "tpu.region"() ({
      %run_scoped3A = tpu.sem_alloc : memref<!tpu.dma_semaphore, #tpu.memory_space<semaphore_mem>>
      %dma_start3A_26 = arith.constant 0 : i32
      %dma_start3A_27 = tpu.memref_slice %arg15[%mul3A_2, %dma_start3A_26] : memref<10240x128xf32, #tpu.memory_space<vmem_shared>> -> memref<640x128xf32, #tpu.memory_space<vmem_shared>>
      tpu.enqueue_dma source(%arg5 : memref<640x128xf32, #tpu.memory_space<hbm>>) target(%dma_start3A_27 : memref<640x128xf32, #tpu.memory_space<vmem_shared>>) target_semaphore(%run_scoped3A : memref<!tpu.dma_semaphore, #tpu.memory_space<semaphore_mem>>)
      %dma_wait3A_28 = arith.constant 0 : i32
      %dma_wait3A_29 = tpu.memref_slice %arg15[%mul3A_2, %dma_wait3A_28] : memref<10240x128xf32, #tpu.memory_space<vmem_shared>> -> memref<640x128xf32, #tpu.memory_space<vmem_shared>>
      tpu.wait_dma2 semaphore(%run_scoped3A : memref<!tpu.dma_semaphore, #tpu.memory_space<semaphore_mem>>) src(%arg5 : memref<640x128xf32, #tpu.memory_space<hbm>>) dst(%dma_wait3A_29 : memref<640x128xf32, #tpu.memory_space<vmem_shared>>)
      tpu.yield
    }) : () -> ()
    %barrier3A = arith.constant 0 : index
    tpu.barrier barrier_id(%barrier3A)
    %scan3A = arith.constant 0 : i32
    %scan3A_3 = arith.constant 27 : i32
    %scan3A_4 = arith.addi %scan3A, %scan3A_3 : i32
    %scan3A_5 = arith.constant 1 : i32
    scf.for %scan3A_26 = %scan3A to %scan3A_4 step %scan3A_5  : i32 {
      %mul3A_27 = arith.constant 1 : i32
      %mul3A_28 = arith.muli %scan3A_26, %mul3A_27 : i32
      %add3A_29 = arith.constant 0 : i32
      %add3A_30 = arith.addi %add3A_29, %mul3A_28 : i32
      %mul3A_31 = arith.constant 2 : i32
      %mul3A_32 = arith.muli %mul3A_31, %add3A_30 : i32
      %mul3A_33 = arith.constant 10000 : i32
      %mul3A_34 = arith.muli %add3A, %mul3A_33 : i32
      %mul3A_35 = arith.constant 184 : i32
      %mul3A_36 = arith.muli %mul3A_32, %mul3A_35 : i32
      %add3A_37 = arith.addi %mul3A_34, %mul3A_36 : i32
      "tpu.region"() ({
        %run_scoped3A = tpu.sem_alloc : memref<!tpu.dma_semaphore, #tpu.memory_space<semaphore_mem>>
        %dma_start3A_57 = tpu.memref_slice %arg3[%add3A_37] : memref<320000xi32, #tpu.memory_space<hbm>> -> memref<184xi32, #tpu.memory_space<hbm>>
        %dma_start3A_58 = tpu.memref_slice %arg3[%add3A_37] : memref<320000xi32, #tpu.memory_space<hbm>> -> memref<184xi32, #tpu.memory_space<hbm>>
        tpu.enqueue_dma source(%dma_start3A_58 : memref<184xi32, #tpu.memory_space<hbm>>) target(%arg7 : memref<184xi32, #tpu.memory_space<vmem>>) target_semaphore(%run_scoped3A : memref<!tpu.dma_semaphore, #tpu.memory_space<semaphore_mem>>)
        %dma_wait3A_59 = tpu.memref_slice %arg3[%add3A_37] : memref<320000xi32, #tpu.memory_space<hbm>> -> memref<184xi32, #tpu.memory_space<hbm>>
        %dma_wait3A_60 = tpu.memref_slice %arg3[%add3A_37] : memref<320000xi32, #tpu.memory_space<hbm>> -> memref<184xi32, #tpu.memory_space<hbm>>
        tpu.wait_dma2 semaphore(%run_scoped3A : memref<!tpu.dma_semaphore, #tpu.memory_space<semaphore_mem>>) src(%dma_wait3A_60 : memref<184xi32, #tpu.memory_space<hbm>>) dst(%arg7 : memref<184xi32, #tpu.memory_space<vmem>>)
        tpu.yield
      }) : () -> ()
      "tpu.region"() ({
        %run_scoped3A = tpu.sem_alloc : memref<!tpu.dma_semaphore, #tpu.memory_space<semaphore_mem>>
        %dma_start3A_57 = tpu.memref_slice %arg4[%add3A_37] : memref<320000xi32, #tpu.memory_space<hbm>> -> memref<184xi32, #tpu.memory_space<hbm>>
        %dma_start3A_58 = tpu.memref_slice %arg4[%add3A_37] : memref<320000xi32, #tpu.memory_space<hbm>> -> memref<184xi32, #tpu.memory_space<hbm>>
        tpu.enqueue_dma source(%dma_start3A_58 : memref<184xi32, #tpu.memory_space<hbm>>) target(%arg9 : memref<184xi32, #tpu.memory_space<vmem>>) target_semaphore(%run_scoped3A : memref<!tpu.dma_semaphore, #tpu.memory_space<semaphore_mem>>)
        %dma_wait3A_59 = tpu.memref_slice %arg4[%add3A_37] : memref<320000xi32, #tpu.memory_space<hbm>> -> memref<184xi32, #tpu.memory_space<hbm>>
        %dma_wait3A_60 = tpu.memref_slice %arg4[%add3A_37] : memref<320000xi32, #tpu.memory_space<hbm>> -> memref<184xi32, #tpu.memory_space<hbm>>
        tpu.wait_dma2 semaphore(%run_scoped3A : memref<!tpu.dma_semaphore, #tpu.memory_space<semaphore_mem>>) src(%dma_wait3A_60 : memref<184xi32, #tpu.memory_space<hbm>>) dst(%arg9 : memref<184xi32, #tpu.memory_space<vmem>>)
        tpu.yield
      }) : () -> ()
      %add3A_38 = arith.constant 1 : i32
      %add3A_39 = arith.addi %mul3A_32, %add3A_38 : i32
      %mul3A_40 = arith.constant 10000 : i32
      %mul3A_41 = arith.muli %add3A, %mul3A_40 : i32
      %mul3A_42 = arith.constant 184 : i32
      %mul3A_43 = arith.muli %add3A_39, %mul3A_42 : i32
      %add3A_44 = arith.addi %mul3A_41, %mul3A_43 : i32
      "tpu.region"() ({
        %run_scoped3A = tpu.sem_alloc : memref<!tpu.dma_semaphore, #tpu.memory_space<semaphore_mem>>
        %dma_start3A_57 = tpu.memref_slice %arg3[%add3A_44] : memref<320000xi32, #tpu.memory_space<hbm>> -> memref<184xi32, #tpu.memory_space<hbm>>
        %dma_start3A_58 = tpu.memref_slice %arg3[%add3A_44] : memref<320000xi32, #tpu.memory_space<hbm>> -> memref<184xi32, #tpu.memory_space<hbm>>
        tpu.enqueue_dma source(%dma_start3A_58 : memref<184xi32, #tpu.memory_space<hbm>>) target(%arg8 : memref<184xi32, #tpu.memory_space<vmem>>) target_semaphore(%run_scoped3A : memref<!tpu.dma_semaphore, #tpu.memory_space<semaphore_mem>>)
        %dma_wait3A_59 = tpu.memref_slice %arg3[%add3A_44] : memref<320000xi32, #tpu.memory_space<hbm>> -> memref<184xi32, #tpu.memory_space<hbm>>
        %dma_wait3A_60 = tpu.memref_slice %arg3[%add3A_44] : memref<320000xi32, #tpu.memory_space<hbm>> -> memref<184xi32, #tpu.memory_space<hbm>>
        tpu.wait_dma2 semaphore(%run_scoped3A : memref<!tpu.dma_semaphore, #tpu.memory_space<semaphore_mem>>) src(%dma_wait3A_60 : memref<184xi32, #tpu.memory_space<hbm>>) dst(%arg8 : memref<184xi32, #tpu.memory_space<vmem>>)
        tpu.yield
      }) : () -> ()
      "tpu.region"() ({
        %run_scoped3A = tpu.sem_alloc : memref<!tpu.dma_semaphore, #tpu.memory_space<semaphore_mem>>
        %dma_start3A_57 = tpu.memref_slice %arg4[%add3A_44] : memref<320000xi32, #tpu.memory_space<hbm>> -> memref<184xi32, #tpu.memory_space<hbm>>
        %dma_start3A_58 = tpu.memref_slice %arg4[%add3A_44] : memref<320000xi32, #tpu.memory_space<hbm>> -> memref<184xi32, #tpu.memory_space<hbm>>
        tpu.enqueue_dma source(%dma_start3A_58 : memref<184xi32, #tpu.memory_space<hbm>>) target(%arg10 : memref<184xi32, #tpu.memory_space<vmem>>) target_semaphore(%run_scoped3A : memref<!tpu.dma_semaphore, #tpu.memory_space<semaphore_mem>>)
        %dma_wait3A_59 = tpu.memref_slice %arg4[%add3A_44] : memref<320000xi32, #tpu.memory_space<hbm>> -> memref<184xi32, #tpu.memory_space<hbm>>
        %dma_wait3A_60 = tpu.memref_slice %arg4[%add3A_44] : memref<320000xi32, #tpu.memory_space<hbm>> -> memref<184xi32, #tpu.memory_space<hbm>>
        tpu.wait_dma2 semaphore(%run_scoped3A : memref<!tpu.dma_semaphore, #tpu.memory_space<semaphore_mem>>) src(%dma_wait3A_60 : memref<184xi32, #tpu.memory_space<hbm>>) dst(%arg10 : memref<184xi32, #tpu.memory_space<vmem>>)
        tpu.yield
      }) : () -> ()
      %dma_start3A_45 = arith.constant 0 : i32
      %dma_start3A_46 = arith.constant 0 : i32
      %dma_start3A_47 = tpu.memref_slice %arg2[%dma_start3A_45, %dma_start3A_46] : memref<10000x128xf32, #tpu.memory_space<hbm>> -> memref<10000x128xf32, #tpu.memory_space<hbm>>
      tpu.enqueue_indirect_dma source(%dma_start3A_47 : memref<10000x128xf32, #tpu.memory_space<hbm>>) target(%arg13 : memref<184x128xf32, #tpu.memory_space<vmem>>) offsets(%arg7 : memref<184xi32, #tpu.memory_space<vmem>>) semaphore(%arg16 : memref<!tpu.dma_semaphore, #tpu.memory_space<semaphore_mem>>)
      %dma_start3A_48 = arith.constant 0 : i32
      %dma_start3A_49 = arith.constant 0 : i32
      %dma_start3A_50 = tpu.memref_slice %arg2[%dma_start3A_48, %dma_start3A_49] : memref<10000x128xf32, #tpu.memory_space<hbm>> -> memref<10000x128xf32, #tpu.memory_space<hbm>>
      tpu.enqueue_indirect_dma source(%dma_start3A_50 : memref<10000x128xf32, #tpu.memory_space<hbm>>) target(%arg14 : memref<184x128xf32, #tpu.memory_space<vmem>>) offsets(%arg8 : memref<184xi32, #tpu.memory_space<vmem>>) semaphore(%arg17 : memref<!tpu.dma_semaphore, #tpu.memory_space<semaphore_mem>>)
      %dma_wait3A_51 = arith.constant 0 : i32
      %dma_wait3A_52 = arith.constant 0 : i32
      %dma_wait3A_53 = tpu.memref_slice %arg2[%dma_wait3A_51, %dma_wait3A_52] : memref<10000x128xf32, #tpu.memory_space<hbm>> -> memref<10000x128xf32, #tpu.memory_space<hbm>>
      tpu.wait_indirect_dma semaphore(%arg16 : memref<!tpu.dma_semaphore, #tpu.memory_space<semaphore_mem>>) src(%dma_wait3A_53 : memref<10000x128xf32, #tpu.memory_space<hbm>>) dst(%arg13 : memref<184x128xf32, #tpu.memory_space<vmem>>)
      "tpu.region"() ({
        %run_scoped3A = tpu.sem_alloc : memref<!tpu.dma_semaphore, #tpu.memory_space<semaphore_mem>>
        %dma_start3A_57 = arith.constant 0 : i32
        %dma_start3A_58 = arith.constant 0 : i32
        %dma_start3A_59 = tpu.memref_slice %arg15[%dma_start3A_57, %dma_start3A_58] : memref<10240x128xf32, #tpu.memory_space<vmem_shared>> -> memref<10240x128xf32, #tpu.memory_space<vmem_shared>>
        tpu.enqueue_indirect_dma source(%arg13 : memref<184x128xf32, #tpu.memory_space<vmem>>) target(%dma_start3A_59 : memref<10240x128xf32, #tpu.memory_space<vmem_shared>>) offsets(%arg9 : memref<184xi32, #tpu.memory_space<vmem>>) semaphore(%run_scoped3A : memref<!tpu.dma_semaphore, #tpu.memory_space<semaphore_mem>>) {add = true}
        %dma_wait3A_60 = arith.constant 0 : i32
        %dma_wait3A_61 = arith.constant 0 : i32
        %dma_wait3A_62 = tpu.memref_slice %arg15[%dma_wait3A_60, %dma_wait3A_61] : memref<10240x128xf32, #tpu.memory_space<vmem_shared>> -> memref<10240x128xf32, #tpu.memory_space<vmem_shared>>
        tpu.wait_indirect_dma semaphore(%run_scoped3A : memref<!tpu.dma_semaphore, #tpu.memory_space<semaphore_mem>>) src(%arg13 : memref<184x128xf32, #tpu.memory_space<vmem>>) dst(%dma_wait3A_62 : memref<10240x128xf32, #tpu.memory_space<vmem_shared>>)
        tpu.yield
      }) : () -> ()
      %dma_wait3A_54 = arith.constant 0 : i32
      %dma_wait3A_55 = arith.constant 0 : i32
      %dma_wait3A_56 = tpu.memref_slice %arg2[%dma_wait3A_54, %dma_wait3A_55] : memref<10000x128xf32, #tpu.memory_space<hbm>> -> memref<10000x128xf32, #tpu.memory_space<hbm>>
      tpu.wait_indirect_dma semaphore(%arg17 : memref<!tpu.dma_semaphore, #tpu.memory_space<semaphore_mem>>) src(%dma_wait3A_56 : memref<10000x128xf32, #tpu.memory_space<hbm>>) dst(%arg14 : memref<184x128xf32, #tpu.memory_space<vmem>>)
      "tpu.region"() ({
        %run_scoped3A = tpu.sem_alloc : memref<!tpu.dma_semaphore, #tpu.memory_space<semaphore_mem>>
        %dma_start3A_57 = arith.constant 0 : i32
        %dma_start3A_58 = arith.constant 0 : i32
        %dma_start3A_59 = tpu.memref_slice %arg15[%dma_start3A_57, %dma_start3A_58] : memref<10240x128xf32, #tpu.memory_space<vmem_shared>> -> memref<10240x128xf32, #tpu.memory_space<vmem_shared>>
        tpu.enqueue_indirect_dma source(%arg14 : memref<184x128xf32, #tpu.memory_space<vmem>>) target(%dma_start3A_59 : memref<10240x128xf32, #tpu.memory_space<vmem_shared>>) offsets(%arg10 : memref<184xi32, #tpu.memory_space<vmem>>) semaphore(%run_scoped3A : memref<!tpu.dma_semaphore, #tpu.memory_space<semaphore_mem>>) {add = true}
        %dma_wait3A_60 = arith.constant 0 : i32
        %dma_wait3A_61 = arith.constant 0 : i32
        %dma_wait3A_62 = tpu.memref_slice %arg15[%dma_wait3A_60, %dma_wait3A_61] : memref<10240x128xf32, #tpu.memory_space<vmem_shared>> -> memref<10240x128xf32, #tpu.memory_space<vmem_shared>>
        tpu.wait_indirect_dma semaphore(%run_scoped3A : memref<!tpu.dma_semaphore, #tpu.memory_space<semaphore_mem>>) src(%arg14 : memref<184x128xf32, #tpu.memory_space<vmem>>) dst(%dma_wait3A_62 : memref<10240x128xf32, #tpu.memory_space<vmem_shared>>)
        tpu.yield
      }) : () -> ()
    }
    %scan3A_6 = arith.constant 27 : i32
    %mul3A_7 = arith.constant 10000 : i32
    %mul3A_8 = arith.muli %add3A, %mul3A_7 : i32
    %add3A_9 = arith.constant 9936 : i32
    %add3A_10 = arith.addi %mul3A_8, %add3A_9 : i32
    "tpu.region"() ({
      %run_scoped3A = tpu.sem_alloc : memref<!tpu.dma_semaphore, #tpu.memory_space<semaphore_mem>>
      %dma_start3A_26 = tpu.memref_slice %arg3[%add3A_10] : memref<320000xi32, #tpu.memory_space<hbm>> -> memref<64xi32, #tpu.memory_space<hbm>>
      %dma_start3A_27 = tpu.memref_slice %arg3[%add3A_10] : memref<320000xi32, #tpu.memory_space<hbm>> -> memref<64xi32, #tpu.memory_space<hbm>>
      tpu.enqueue_dma source(%dma_start3A_27 : memref<64xi32, #tpu.memory_space<hbm>>) target(%arg11 : memref<64xi32, #tpu.memory_space<vmem>>) target_semaphore(%run_scoped3A : memref<!tpu.dma_semaphore, #tpu.memory_space<semaphore_mem>>)
      %dma_wait3A_28 = tpu.memref_slice %arg3[%add3A_10] : memref<320000xi32, #tpu.memory_space<hbm>> -> memref<64xi32, #tpu.memory_space<hbm>>
      %dma_wait3A_29 = tpu.memref_slice %arg3[%add3A_10] : memref<320000xi32, #tpu.memory_space<hbm>> -> memref<64xi32, #tpu.memory_space<hbm>>
      tpu.wait_dma2 semaphore(%run_scoped3A : memref<!tpu.dma_semaphore, #tpu.memory_space<semaphore_mem>>) src(%dma_wait3A_29 : memref<64xi32, #tpu.memory_space<hbm>>) dst(%arg11 : memref<64xi32, #tpu.memory_space<vmem>>)
      tpu.yield
    }) : () -> ()
    "tpu.region"() ({
      %run_scoped3A = tpu.sem_alloc : memref<!tpu.dma_semaphore, #tpu.memory_space<semaphore_mem>>
      %dma_start3A_26 = tpu.memref_slice %arg4[%add3A_10] : memref<320000xi32, #tpu.memory_space<hbm>> -> memref<64xi32, #tpu.memory_space<hbm>>
      %dma_start3A_27 = tpu.memref_slice %arg4[%add3A_10] : memref<320000xi32, #tpu.memory_space<hbm>> -> memref<64xi32, #tpu.memory_space<hbm>>
      tpu.enqueue_dma source(%dma_start3A_27 : memref<64xi32, #tpu.memory_space<hbm>>) target(%arg12 : memref<64xi32, #tpu.memory_space<vmem>>) target_semaphore(%run_scoped3A : memref<!tpu.dma_semaphore, #tpu.memory_space<semaphore_mem>>)
      %dma_wait3A_28 = tpu.memref_slice %arg4[%add3A_10] : memref<320000xi32, #tpu.memory_space<hbm>> -> memref<64xi32, #tpu.memory_space<hbm>>
      %dma_wait3A_29 = tpu.memref_slice %arg4[%add3A_10] : memref<320000xi32, #tpu.memory_space<hbm>> -> memref<64xi32, #tpu.memory_space<hbm>>
      tpu.wait_dma2 semaphore(%run_scoped3A : memref<!tpu.dma_semaphore, #tpu.memory_space<semaphore_mem>>) src(%dma_wait3A_29 : memref<64xi32, #tpu.memory_space<hbm>>) dst(%arg12 : memref<64xi32, #tpu.memory_space<vmem>>)
      tpu.yield
    }) : () -> ()
    %dma_start3A = arith.constant 0 : i32
    %dma_start3A_11 = arith.constant 0 : i32
    %dma_start3A_12 = tpu.memref_slice %arg13[%dma_start3A, %dma_start3A_11] : memref<184x128xf32, #tpu.memory_space<vmem>> -> memref<64x128xf32, #tpu.memory_space<vmem>>
    %dma_start3A_13 = arith.constant 0 : i32
    %dma_start3A_14 = arith.constant 0 : i32
    %dma_start3A_15 = tpu.memref_slice %arg2[%dma_start3A_13, %dma_start3A_14] : memref<10000x128xf32, #tpu.memory_space<hbm>> -> memref<10000x128xf32, #tpu.memory_space<hbm>>
    tpu.enqueue_indirect_dma source(%dma_start3A_15 : memref<10000x128xf32, #tpu.memory_space<hbm>>) target(%dma_start3A_12 : memref<64x128xf32, #tpu.memory_space<vmem>>) offsets(%arg11 : memref<64xi32, #tpu.memory_space<vmem>>) semaphore(%arg16 : memref<!tpu.dma_semaphore, #tpu.memory_space<semaphore_mem>>)
    %dma_wait3A = arith.constant 0 : i32
    %dma_wait3A_16 = arith.constant 0 : i32
    %dma_wait3A_17 = tpu.memref_slice %arg13[%dma_wait3A, %dma_wait3A_16] : memref<184x128xf32, #tpu.memory_space<vmem>> -> memref<64x128xf32, #tpu.memory_space<vmem>>
    %dma_wait3A_18 = arith.constant 0 : i32
    %dma_wait3A_19 = arith.constant 0 : i32
    %dma_wait3A_20 = tpu.memref_slice %arg2[%dma_wait3A_18, %dma_wait3A_19] : memref<10000x128xf32, #tpu.memory_space<hbm>> -> memref<10000x128xf32, #tpu.memory_space<hbm>>
    tpu.wait_indirect_dma semaphore(%arg16 : memref<!tpu.dma_semaphore, #tpu.memory_space<semaphore_mem>>) src(%dma_wait3A_20 : memref<10000x128xf32, #tpu.memory_space<hbm>>) dst(%dma_wait3A_17 : memref<64x128xf32, #tpu.memory_space<vmem>>)
    "tpu.region"() ({
      %run_scoped3A = tpu.sem_alloc : memref<!tpu.dma_semaphore, #tpu.memory_space<semaphore_mem>>
      %dma_start3A_26 = arith.constant 0 : i32
      %dma_start3A_27 = arith.constant 0 : i32
      %dma_start3A_28 = tpu.memref_slice %arg13[%dma_start3A_26, %dma_start3A_27] : memref<184x128xf32, #tpu.memory_space<vmem>> -> memref<64x128xf32, #tpu.memory_space<vmem>>
      %dma_start3A_29 = arith.constant 0 : i32
      %dma_start3A_30 = arith.constant 0 : i32
      %dma_start3A_31 = tpu.memref_slice %arg15[%dma_start3A_29, %dma_start3A_30] : memref<10240x128xf32, #tpu.memory_space<vmem_shared>> -> memref<10240x128xf32, #tpu.memory_space<vmem_shared>>
      tpu.enqueue_indirect_dma source(%dma_start3A_28 : memref<64x128xf32, #tpu.memory_space<vmem>>) target(%dma_start3A_31 : memref<10240x128xf32, #tpu.memory_space<vmem_shared>>) offsets(%arg12 : memref<64xi32, #tpu.memory_space<vmem>>) semaphore(%run_scoped3A : memref<!tpu.dma_semaphore, #tpu.memory_space<semaphore_mem>>) {add = true}
      %dma_wait3A_32 = arith.constant 0 : i32
      %dma_wait3A_33 = arith.constant 0 : i32
      %dma_wait3A_34 = tpu.memref_slice %arg13[%dma_wait3A_32, %dma_wait3A_33] : memref<184x128xf32, #tpu.memory_space<vmem>> -> memref<64x128xf32, #tpu.memory_space<vmem>>
      %dma_wait3A_35 = arith.constant 0 : i32
      %dma_wait3A_36 = arith.constant 0 : i32
      %dma_wait3A_37 = tpu.memref_slice %arg15[%dma_wait3A_35, %dma_wait3A_36] : memref<10240x128xf32, #tpu.memory_space<vmem_shared>> -> memref<10240x128xf32, #tpu.memory_space<vmem_shared>>
      tpu.wait_indirect_dma semaphore(%run_scoped3A : memref<!tpu.dma_semaphore, #tpu.memory_space<semaphore_mem>>) src(%dma_wait3A_34 : memref<64x128xf32, #tpu.memory_space<vmem>>) dst(%dma_wait3A_37 : memref<10240x128xf32, #tpu.memory_space<vmem_shared>>)
      tpu.yield
    }) : () -> ()
    %barrier3A_21 = arith.constant 0 : index
    tpu.barrier barrier_id(%barrier3A_21)
    %mul3A_22 = arith.constant 640 : i32
    %mul3A_23 = arith.muli %arg1, %mul3A_22 : i32
    %mul3A_24 = arith.constant 640 : i32
    %mul3A_25 = arith.muli %arg1, %mul3A_24 : i32
    "tpu.region"() ({
      %run_scoped3A = tpu.sem_alloc : memref<!tpu.dma_semaphore, #tpu.memory_space<semaphore_mem>>
      %dma_start3A_26 = arith.constant 0 : i32
      %dma_start3A_27 = arith.constant 0 : i32
      %dma_start3A_28 = tpu.memref_slice %arg6[%arg0, %dma_start3A_26, %dma_start3A_27] : memref<2x10240x128xf32, #tpu.memory_space<hbm>> -> memref<1x10240x128xf32, #tpu.memory_space<hbm>>
      %dma_start3A_29 = tpu.memref_squeeze %dma_start3A_28 : memref<1x10240x128xf32, #tpu.memory_space<hbm>> -> memref<10240x128xf32, #tpu.memory_space<hbm>>
      %dma_start3A_30 = arith.constant 0 : i32
      %dma_start3A_31 = tpu.memref_slice %dma_start3A_29[%mul3A_25, %dma_start3A_30] : memref<10240x128xf32, #tpu.memory_space<hbm>> -> memref<640x128xf32, #tpu.memory_space<hbm>>
      %dma_start3A_32 = arith.constant 0 : i32
      %dma_start3A_33 = tpu.memref_slice %arg15[%mul3A_23, %dma_start3A_32] : memref<10240x128xf32, #tpu.memory_space<vmem_shared>> -> memref<640x128xf32, #tpu.memory_space<vmem_shared>>
      tpu.enqueue_dma source(%dma_start3A_33 : memref<640x128xf32, #tpu.memory_space<vmem_shared>>) target(%dma_start3A_31 : memref<640x128xf32, #tpu.memory_space<hbm>>) target_semaphore(%run_scoped3A : memref<!tpu.dma_semaphore, #tpu.memory_space<semaphore_mem>>)
      %dma_wait3A_34 = arith.constant 0 : i32
      %dma_wait3A_35 = arith.constant 0 : i32
      %dma_wait3A_36 = tpu.memref_slice %arg6[%arg0, %dma_wait3A_34, %dma_wait3A_35] : memref<2x10240x128xf32, #tpu.memory_space<hbm>> -> memref<1x10240x128xf32, #tpu.memory_space<hbm>>
      %dma_wait3A_37 = tpu.memref_squeeze %dma_wait3A_36 : memref<1x10240x128xf32, #tpu.memory_space<hbm>> -> memref<10240x128xf32, #tpu.memory_space<hbm>>
      %dma_wait3A_38 = arith.constant 0 : i32
      %dma_wait3A_39 = tpu.memref_slice %dma_wait3A_37[%mul3A_25, %dma_wait3A_38] : memref<10240x128xf32, #tpu.memory_space<hbm>> -> memref<640x128xf32, #tpu.memory_space<hbm>>
      %dma_wait3A_40 = arith.constant 0 : i32
      %dma_wait3A_41 = tpu.memref_slice %arg15[%mul3A_23, %dma_wait3A_40] : memref<10240x128xf32, #tpu.memory_space<vmem_shared>> -> memref<640x128xf32, #tpu.memory_space<vmem_shared>>
      tpu.wait_dma2 semaphore(%run_scoped3A : memref<!tpu.dma_semaphore, #tpu.memory_space<semaphore_mem>>) src(%dma_wait3A_41 : memref<640x128xf32, #tpu.memory_space<vmem_shared>>) dst(%dma_wait3A_39 : memref<640x128xf32, #tpu.memory_space<hbm>>)
      tpu.yield
    }) : () -> ()
    return
  }
}

#map = affine_map<(d0, d1) -> (0)>
#map1 = affine_map<(d0, d1) -> (0, 0)>
#map2 = affine_map<(d0, d1) -> (0, 0, 0)>
module attributes {stable_mosaic.version = 14 : i64} {
  func.func @_deg_body(%arg0: i32, %arg1: i32, %arg2: memref<320000xi32, #tpu.memory_space<hbm>>, %arg3: memref<640x16xf32, #tpu.memory_space<hbm>>, %arg4: memref<200x16xf32, #tpu.memory_space<hbm>>, %arg5: memref<2x10240x16xf32, #tpu.memory_space<hbm>>, %arg6: memref<200xi32, #tpu.memory_space<vmem>>, %arg7: memref<200x16xf32, #tpu.memory_space<vmem>>, %arg8: memref<10240x16xf32, #tpu.memory_space<vmem_shared>>, %arg9: memref<!tpu.dma_semaphore, #tpu.memory_space<semaphore_mem>>) attributes {dimension_semantics = [#tpu.dimension_semantics<core_parallel>, #tpu.dimension_semantics<subcore_parallel>], iteration_bounds = array<i64: 2, 16>, scalar_prefetch = 0 : i64, scratch_operands = 4 : i64, tpu.core_type = #tpu.core_type<sc_vector_subcore>, window_params = [{transform_indices = #map}, {transform_indices = #map1}, {transform_indices = #map1}, {transform_indices = #map2}]} {
    %mul3A = arith.constant 16 : i32
    %mul3A_0 = arith.muli %arg0, %mul3A : i32
    %add3A = arith.addi %mul3A_0, %arg1 : i32
    %mul3A_1 = arith.constant 640 : i32
    %mul3A_2 = arith.muli %arg1, %mul3A_1 : i32
    "tpu.region"() ({
      %run_scoped3A = tpu.sem_alloc : memref<!tpu.dma_semaphore, #tpu.memory_space<semaphore_mem>>
      %dma_start3A = arith.constant 0 : i32
      %dma_start3A_12 = tpu.memref_slice %arg8[%mul3A_2, %dma_start3A] : memref<10240x16xf32, #tpu.memory_space<vmem_shared>> -> memref<640x16xf32, #tpu.memory_space<vmem_shared>>
      tpu.enqueue_dma source(%arg3 : memref<640x16xf32, #tpu.memory_space<hbm>>) target(%dma_start3A_12 : memref<640x16xf32, #tpu.memory_space<vmem_shared>>) target_semaphore(%run_scoped3A : memref<!tpu.dma_semaphore, #tpu.memory_space<semaphore_mem>>)
      %dma_wait3A = arith.constant 0 : i32
      %dma_wait3A_13 = tpu.memref_slice %arg8[%mul3A_2, %dma_wait3A] : memref<10240x16xf32, #tpu.memory_space<vmem_shared>> -> memref<640x16xf32, #tpu.memory_space<vmem_shared>>
      tpu.wait_dma2 semaphore(%run_scoped3A : memref<!tpu.dma_semaphore, #tpu.memory_space<semaphore_mem>>) src(%arg3 : memref<640x16xf32, #tpu.memory_space<hbm>>) dst(%dma_wait3A_13 : memref<640x16xf32, #tpu.memory_space<vmem_shared>>)
      tpu.yield
    }) : () -> ()
    "tpu.region"() ({
      %run_scoped3A = tpu.sem_alloc : memref<!tpu.dma_semaphore, #tpu.memory_space<semaphore_mem>>
      tpu.enqueue_dma source(%arg4 : memref<200x16xf32, #tpu.memory_space<hbm>>) target(%arg7 : memref<200x16xf32, #tpu.memory_space<vmem>>) target_semaphore(%run_scoped3A : memref<!tpu.dma_semaphore, #tpu.memory_space<semaphore_mem>>)
      tpu.wait_dma2 semaphore(%run_scoped3A : memref<!tpu.dma_semaphore, #tpu.memory_space<semaphore_mem>>) src(%arg4 : memref<200x16xf32, #tpu.memory_space<hbm>>) dst(%arg7 : memref<200x16xf32, #tpu.memory_space<vmem>>)
      tpu.yield
    }) : () -> ()
    %barrier3A = arith.constant 0 : index
    tpu.barrier barrier_id(%barrier3A)
    %scan3A = arith.constant 0 : i32
    %scan3A_3 = arith.constant 50 : i32
    %scan3A_4 = arith.addi %scan3A, %scan3A_3 : i32
    %scan3A_5 = arith.constant 1 : i32
    scf.for %scan3A_12 = %scan3A to %scan3A_4 step %scan3A_5  : i32 {
      %mul3A_13 = arith.constant 1 : i32
      %mul3A_14 = arith.muli %scan3A_12, %mul3A_13 : i32
      %add3A_15 = arith.constant 0 : i32
      %add3A_16 = arith.addi %add3A_15, %mul3A_14 : i32
      %mul3A_17 = arith.constant 10000 : i32
      %mul3A_18 = arith.muli %add3A, %mul3A_17 : i32
      %mul3A_19 = arith.constant 200 : i32
      %mul3A_20 = arith.muli %add3A_16, %mul3A_19 : i32
      %add3A_21 = arith.addi %mul3A_18, %mul3A_20 : i32
      "tpu.region"() ({
        %run_scoped3A = tpu.sem_alloc : memref<!tpu.dma_semaphore, #tpu.memory_space<semaphore_mem>>
        %dma_start3A = tpu.memref_slice %arg2[%add3A_21] : memref<320000xi32, #tpu.memory_space<hbm>> -> memref<200xi32, #tpu.memory_space<hbm>>
        %dma_start3A_22 = tpu.memref_slice %arg2[%add3A_21] : memref<320000xi32, #tpu.memory_space<hbm>> -> memref<200xi32, #tpu.memory_space<hbm>>
        tpu.enqueue_dma source(%dma_start3A_22 : memref<200xi32, #tpu.memory_space<hbm>>) target(%arg6 : memref<200xi32, #tpu.memory_space<vmem>>) target_semaphore(%run_scoped3A : memref<!tpu.dma_semaphore, #tpu.memory_space<semaphore_mem>>)
        %dma_wait3A = tpu.memref_slice %arg2[%add3A_21] : memref<320000xi32, #tpu.memory_space<hbm>> -> memref<200xi32, #tpu.memory_space<hbm>>
        %dma_wait3A_23 = tpu.memref_slice %arg2[%add3A_21] : memref<320000xi32, #tpu.memory_space<hbm>> -> memref<200xi32, #tpu.memory_space<hbm>>
        tpu.wait_dma2 semaphore(%run_scoped3A : memref<!tpu.dma_semaphore, #tpu.memory_space<semaphore_mem>>) src(%dma_wait3A_23 : memref<200xi32, #tpu.memory_space<hbm>>) dst(%arg6 : memref<200xi32, #tpu.memory_space<vmem>>)
        tpu.yield
      }) : () -> ()
      "tpu.region"() ({
        %run_scoped3A = tpu.sem_alloc : memref<!tpu.dma_semaphore, #tpu.memory_space<semaphore_mem>>
        %dma_start3A = arith.constant 0 : i32
        %dma_start3A_22 = arith.constant 0 : i32
        %dma_start3A_23 = tpu.memref_slice %arg8[%dma_start3A, %dma_start3A_22] : memref<10240x16xf32, #tpu.memory_space<vmem_shared>> -> memref<10240x16xf32, #tpu.memory_space<vmem_shared>>
        tpu.enqueue_indirect_dma source(%arg7 : memref<200x16xf32, #tpu.memory_space<vmem>>) target(%dma_start3A_23 : memref<10240x16xf32, #tpu.memory_space<vmem_shared>>) offsets(%arg6 : memref<200xi32, #tpu.memory_space<vmem>>) semaphore(%run_scoped3A : memref<!tpu.dma_semaphore, #tpu.memory_space<semaphore_mem>>) {add = true}
        %dma_wait3A = arith.constant 0 : i32
        %dma_wait3A_24 = arith.constant 0 : i32
        %dma_wait3A_25 = tpu.memref_slice %arg8[%dma_wait3A, %dma_wait3A_24] : memref<10240x16xf32, #tpu.memory_space<vmem_shared>> -> memref<10240x16xf32, #tpu.memory_space<vmem_shared>>
        tpu.wait_indirect_dma semaphore(%run_scoped3A : memref<!tpu.dma_semaphore, #tpu.memory_space<semaphore_mem>>) src(%arg7 : memref<200x16xf32, #tpu.memory_space<vmem>>) dst(%dma_wait3A_25 : memref<10240x16xf32, #tpu.memory_space<vmem_shared>>)
        tpu.yield
      }) : () -> ()
    }
    %scan3A_6 = arith.constant 50 : i32
    %barrier3A_7 = arith.constant 0 : index
    tpu.barrier barrier_id(%barrier3A_7)
    %mul3A_8 = arith.constant 640 : i32
    %mul3A_9 = arith.muli %arg1, %mul3A_8 : i32
    %mul3A_10 = arith.constant 640 : i32
    %mul3A_11 = arith.muli %arg1, %mul3A_10 : i32
    "tpu.region"() ({
      %run_scoped3A = tpu.sem_alloc : memref<!tpu.dma_semaphore, #tpu.memory_space<semaphore_mem>>
      %dma_start3A = arith.constant 0 : i32
      %dma_start3A_12 = arith.constant 0 : i32
      %dma_start3A_13 = tpu.memref_slice %arg5[%arg0, %dma_start3A, %dma_start3A_12] : memref<2x10240x16xf32, #tpu.memory_space<hbm>> -> memref<1x10240x16xf32, #tpu.memory_space<hbm>>
      %dma_start3A_14 = tpu.memref_squeeze %dma_start3A_13 : memref<1x10240x16xf32, #tpu.memory_space<hbm>> -> memref<10240x16xf32, #tpu.memory_space<hbm>>
      %dma_start3A_15 = arith.constant 0 : i32
      %dma_start3A_16 = tpu.memref_slice %dma_start3A_14[%mul3A_11, %dma_start3A_15] : memref<10240x16xf32, #tpu.memory_space<hbm>> -> memref<640x16xf32, #tpu.memory_space<hbm>>
      %dma_start3A_17 = arith.constant 0 : i32
      %dma_start3A_18 = tpu.memref_slice %arg8[%mul3A_9, %dma_start3A_17] : memref<10240x16xf32, #tpu.memory_space<vmem_shared>> -> memref<640x16xf32, #tpu.memory_space<vmem_shared>>
      tpu.enqueue_dma source(%dma_start3A_18 : memref<640x16xf32, #tpu.memory_space<vmem_shared>>) target(%dma_start3A_16 : memref<640x16xf32, #tpu.memory_space<hbm>>) target_semaphore(%run_scoped3A : memref<!tpu.dma_semaphore, #tpu.memory_space<semaphore_mem>>)
      %dma_wait3A = arith.constant 0 : i32
      %dma_wait3A_19 = arith.constant 0 : i32
      %dma_wait3A_20 = tpu.memref_slice %arg5[%arg0, %dma_wait3A, %dma_wait3A_19] : memref<2x10240x16xf32, #tpu.memory_space<hbm>> -> memref<1x10240x16xf32, #tpu.memory_space<hbm>>
      %dma_wait3A_21 = tpu.memref_squeeze %dma_wait3A_20 : memref<1x10240x16xf32, #tpu.memory_space<hbm>> -> memref<10240x16xf32, #tpu.memory_space<hbm>>
      %dma_wait3A_22 = arith.constant 0 : i32
      %dma_wait3A_23 = tpu.memref_slice %dma_wait3A_21[%mul3A_11, %dma_wait3A_22] : memref<10240x16xf32, #tpu.memory_space<hbm>> -> memref<640x16xf32, #tpu.memory_space<hbm>>
      %dma_wait3A_24 = arith.constant 0 : i32
      %dma_wait3A_25 = tpu.memref_slice %arg8[%mul3A_9, %dma_wait3A_24] : memref<10240x16xf32, #tpu.memory_space<vmem_shared>> -> memref<640x16xf32, #tpu.memory_space<vmem_shared>>
      tpu.wait_dma2 semaphore(%run_scoped3A : memref<!tpu.dma_semaphore, #tpu.memory_space<semaphore_mem>>) src(%dma_wait3A_25 : memref<640x16xf32, #tpu.memory_space<vmem_shared>>) dst(%dma_wait3A_23 : memref<640x16xf32, #tpu.memory_space<hbm>>)
      tpu.yield
    }) : () -> ()
    return
  }
}

#map = affine_map<(d0, d1) -> (0, 0)>
#map1 = affine_map<(d0, d1) -> (0)>
#map2 = affine_map<(d0, d1) -> (0, 0, 0)>
module attributes {stable_mosaic.version = 14 : i64} {
  func.func @_agg_body(%arg0: i32, %arg1: i32, %arg2: memref<10000x128xf32, #tpu.memory_space<hbm>>, %arg3: memref<320000xi32, #tpu.memory_space<hbm>>, %arg4: memref<320000xi32, #tpu.memory_space<hbm>>, %arg5: memref<640x128xf32, #tpu.memory_space<hbm>>, %arg6: memref<2x10240x128xf32, #tpu.memory_space<hbm>>, %arg7: memref<184xi32, #tpu.memory_space<vmem>>, %arg8: memref<184xi32, #tpu.memory_space<vmem>>, %arg9: memref<184xi32, #tpu.memory_space<vmem>>, %arg10: memref<184xi32, #tpu.memory_space<vmem>>, %arg11: memref<64xi32, #tpu.memory_space<vmem>>, %arg12: memref<64xi32, #tpu.memory_space<vmem>>, %arg13: memref<184x128xf32, #tpu.memory_space<vmem>>, %arg14: memref<184x128xf32, #tpu.memory_space<vmem>>, %arg15: memref<10240x128xf32, #tpu.memory_space<vmem_shared>>, %arg16: memref<!tpu.dma_semaphore, #tpu.memory_space<semaphore_mem>>, %arg17: memref<!tpu.dma_semaphore, #tpu.memory_space<semaphore_mem>>) attributes {dimension_semantics = [#tpu.dimension_semantics<core_parallel>, #tpu.dimension_semantics<subcore_parallel>], iteration_bounds = array<i64: 2, 16>, scalar_prefetch = 0 : i64, scratch_operands = 11 : i64, tpu.core_type = #tpu.core_type<sc_vector_subcore>, window_params = [{transform_indices = #map}, {transform_indices = #map1}, {transform_indices = #map1}, {transform_indices = #map}, {transform_indices = #map2}]} {
    %mul3A = arith.constant 16 : i32
    %mul3A_0 = arith.muli %arg0, %mul3A : i32
    %add3A = arith.addi %mul3A_0, %arg1 : i32
    %mul3A_1 = arith.constant 640 : i32
    %mul3A_2 = arith.muli %arg1, %mul3A_1 : i32
    "tpu.region"() ({
      %run_scoped3A = tpu.sem_alloc : memref<!tpu.dma_semaphore, #tpu.memory_space<semaphore_mem>>
      %dma_start3A_26 = arith.constant 0 : i32
      %dma_start3A_27 = tpu.memref_slice %arg15[%mul3A_2, %dma_start3A_26] : memref<10240x128xf32, #tpu.memory_space<vmem_shared>> -> memref<640x128xf32, #tpu.memory_space<vmem_shared>>
      tpu.enqueue_dma source(%arg5 : memref<640x128xf32, #tpu.memory_space<hbm>>) target(%dma_start3A_27 : memref<640x128xf32, #tpu.memory_space<vmem_shared>>) target_semaphore(%run_scoped3A : memref<!tpu.dma_semaphore, #tpu.memory_space<semaphore_mem>>)
      %dma_wait3A_28 = arith.constant 0 : i32
      %dma_wait3A_29 = tpu.memref_slice %arg15[%mul3A_2, %dma_wait3A_28] : memref<10240x128xf32, #tpu.memory_space<vmem_shared>> -> memref<640x128xf32, #tpu.memory_space<vmem_shared>>
      tpu.wait_dma2 semaphore(%run_scoped3A : memref<!tpu.dma_semaphore, #tpu.memory_space<semaphore_mem>>) src(%arg5 : memref<640x128xf32, #tpu.memory_space<hbm>>) dst(%dma_wait3A_29 : memref<640x128xf32, #tpu.memory_space<vmem_shared>>)
      tpu.yield
    }) : () -> ()
    %barrier3A = arith.constant 0 : index
    tpu.barrier barrier_id(%barrier3A)
    %scan3A = arith.constant 0 : i32
    %scan3A_3 = arith.constant 27 : i32
    %scan3A_4 = arith.addi %scan3A, %scan3A_3 : i32
    %scan3A_5 = arith.constant 1 : i32
    scf.for %scan3A_26 = %scan3A to %scan3A_4 step %scan3A_5  : i32 {
      %mul3A_27 = arith.constant 1 : i32
      %mul3A_28 = arith.muli %scan3A_26, %mul3A_27 : i32
      %add3A_29 = arith.constant 0 : i32
      %add3A_30 = arith.addi %add3A_29, %mul3A_28 : i32
      %mul3A_31 = arith.constant 2 : i32
      %mul3A_32 = arith.muli %mul3A_31, %add3A_30 : i32
      %mul3A_33 = arith.constant 10000 : i32
      %mul3A_34 = arith.muli %add3A, %mul3A_33 : i32
      %mul3A_35 = arith.constant 184 : i32
      %mul3A_36 = arith.muli %mul3A_32, %mul3A_35 : i32
      %add3A_37 = arith.addi %mul3A_34, %mul3A_36 : i32
      "tpu.region"() ({
        %run_scoped3A = tpu.sem_alloc : memref<!tpu.dma_semaphore, #tpu.memory_space<semaphore_mem>>
        %dma_start3A_57 = tpu.memref_slice %arg3[%add3A_37] : memref<320000xi32, #tpu.memory_space<hbm>> -> memref<184xi32, #tpu.memory_space<hbm>>
        %dma_start3A_58 = tpu.memref_slice %arg3[%add3A_37] : memref<320000xi32, #tpu.memory_space<hbm>> -> memref<184xi32, #tpu.memory_space<hbm>>
        tpu.enqueue_dma source(%dma_start3A_58 : memref<184xi32, #tpu.memory_space<hbm>>) target(%arg7 : memref<184xi32, #tpu.memory_space<vmem>>) target_semaphore(%run_scoped3A : memref<!tpu.dma_semaphore, #tpu.memory_space<semaphore_mem>>)
        %dma_wait3A_59 = tpu.memref_slice %arg3[%add3A_37] : memref<320000xi32, #tpu.memory_space<hbm>> -> memref<184xi32, #tpu.memory_space<hbm>>
        %dma_wait3A_60 = tpu.memref_slice %arg3[%add3A_37] : memref<320000xi32, #tpu.memory_space<hbm>> -> memref<184xi32, #tpu.memory_space<hbm>>
        tpu.wait_dma2 semaphore(%run_scoped3A : memref<!tpu.dma_semaphore, #tpu.memory_space<semaphore_mem>>) src(%dma_wait3A_60 : memref<184xi32, #tpu.memory_space<hbm>>) dst(%arg7 : memref<184xi32, #tpu.memory_space<vmem>>)
        tpu.yield
      }) : () -> ()
      "tpu.region"() ({
        %run_scoped3A = tpu.sem_alloc : memref<!tpu.dma_semaphore, #tpu.memory_space<semaphore_mem>>
        %dma_start3A_57 = tpu.memref_slice %arg4[%add3A_37] : memref<320000xi32, #tpu.memory_space<hbm>> -> memref<184xi32, #tpu.memory_space<hbm>>
        %dma_start3A_58 = tpu.memref_slice %arg4[%add3A_37] : memref<320000xi32, #tpu.memory_space<hbm>> -> memref<184xi32, #tpu.memory_space<hbm>>
        tpu.enqueue_dma source(%dma_start3A_58 : memref<184xi32, #tpu.memory_space<hbm>>) target(%arg9 : memref<184xi32, #tpu.memory_space<vmem>>) target_semaphore(%run_scoped3A : memref<!tpu.dma_semaphore, #tpu.memory_space<semaphore_mem>>)
        %dma_wait3A_59 = tpu.memref_slice %arg4[%add3A_37] : memref<320000xi32, #tpu.memory_space<hbm>> -> memref<184xi32, #tpu.memory_space<hbm>>
        %dma_wait3A_60 = tpu.memref_slice %arg4[%add3A_37] : memref<320000xi32, #tpu.memory_space<hbm>> -> memref<184xi32, #tpu.memory_space<hbm>>
        tpu.wait_dma2 semaphore(%run_scoped3A : memref<!tpu.dma_semaphore, #tpu.memory_space<semaphore_mem>>) src(%dma_wait3A_60 : memref<184xi32, #tpu.memory_space<hbm>>) dst(%arg9 : memref<184xi32, #tpu.memory_space<vmem>>)
        tpu.yield
      }) : () -> ()
      %add3A_38 = arith.constant 1 : i32
      %add3A_39 = arith.addi %mul3A_32, %add3A_38 : i32
      %mul3A_40 = arith.constant 10000 : i32
      %mul3A_41 = arith.muli %add3A, %mul3A_40 : i32
      %mul3A_42 = arith.constant 184 : i32
      %mul3A_43 = arith.muli %add3A_39, %mul3A_42 : i32
      %add3A_44 = arith.addi %mul3A_41, %mul3A_43 : i32
      "tpu.region"() ({
        %run_scoped3A = tpu.sem_alloc : memref<!tpu.dma_semaphore, #tpu.memory_space<semaphore_mem>>
        %dma_start3A_57 = tpu.memref_slice %arg3[%add3A_44] : memref<320000xi32, #tpu.memory_space<hbm>> -> memref<184xi32, #tpu.memory_space<hbm>>
        %dma_start3A_58 = tpu.memref_slice %arg3[%add3A_44] : memref<320000xi32, #tpu.memory_space<hbm>> -> memref<184xi32, #tpu.memory_space<hbm>>
        tpu.enqueue_dma source(%dma_start3A_58 : memref<184xi32, #tpu.memory_space<hbm>>) target(%arg8 : memref<184xi32, #tpu.memory_space<vmem>>) target_semaphore(%run_scoped3A : memref<!tpu.dma_semaphore, #tpu.memory_space<semaphore_mem>>)
        %dma_wait3A_59 = tpu.memref_slice %arg3[%add3A_44] : memref<320000xi32, #tpu.memory_space<hbm>> -> memref<184xi32, #tpu.memory_space<hbm>>
        %dma_wait3A_60 = tpu.memref_slice %arg3[%add3A_44] : memref<320000xi32, #tpu.memory_space<hbm>> -> memref<184xi32, #tpu.memory_space<hbm>>
        tpu.wait_dma2 semaphore(%run_scoped3A : memref<!tpu.dma_semaphore, #tpu.memory_space<semaphore_mem>>) src(%dma_wait3A_60 : memref<184xi32, #tpu.memory_space<hbm>>) dst(%arg8 : memref<184xi32, #tpu.memory_space<vmem>>)
        tpu.yield
      }) : () -> ()
      "tpu.region"() ({
        %run_scoped3A = tpu.sem_alloc : memref<!tpu.dma_semaphore, #tpu.memory_space<semaphore_mem>>
        %dma_start3A_57 = tpu.memref_slice %arg4[%add3A_44] : memref<320000xi32, #tpu.memory_space<hbm>> -> memref<184xi32, #tpu.memory_space<hbm>>
        %dma_start3A_58 = tpu.memref_slice %arg4[%add3A_44] : memref<320000xi32, #tpu.memory_space<hbm>> -> memref<184xi32, #tpu.memory_space<hbm>>
        tpu.enqueue_dma source(%dma_start3A_58 : memref<184xi32, #tpu.memory_space<hbm>>) target(%arg10 : memref<184xi32, #tpu.memory_space<vmem>>) target_semaphore(%run_scoped3A : memref<!tpu.dma_semaphore, #tpu.memory_space<semaphore_mem>>)
        %dma_wait3A_59 = tpu.memref_slice %arg4[%add3A_44] : memref<320000xi32, #tpu.memory_space<hbm>> -> memref<184xi32, #tpu.memory_space<hbm>>
        %dma_wait3A_60 = tpu.memref_slice %arg4[%add3A_44] : memref<320000xi32, #tpu.memory_space<hbm>> -> memref<184xi32, #tpu.memory_space<hbm>>
        tpu.wait_dma2 semaphore(%run_scoped3A : memref<!tpu.dma_semaphore, #tpu.memory_space<semaphore_mem>>) src(%dma_wait3A_60 : memref<184xi32, #tpu.memory_space<hbm>>) dst(%arg10 : memref<184xi32, #tpu.memory_space<vmem>>)
        tpu.yield
      }) : () -> ()
      %dma_start3A_45 = arith.constant 0 : i32
      %dma_start3A_46 = arith.constant 0 : i32
      %dma_start3A_47 = tpu.memref_slice %arg2[%dma_start3A_45, %dma_start3A_46] : memref<10000x128xf32, #tpu.memory_space<hbm>> -> memref<10000x128xf32, #tpu.memory_space<hbm>>
      tpu.enqueue_indirect_dma source(%dma_start3A_47 : memref<10000x128xf32, #tpu.memory_space<hbm>>) target(%arg13 : memref<184x128xf32, #tpu.memory_space<vmem>>) offsets(%arg7 : memref<184xi32, #tpu.memory_space<vmem>>) semaphore(%arg16 : memref<!tpu.dma_semaphore, #tpu.memory_space<semaphore_mem>>)
      %dma_start3A_48 = arith.constant 0 : i32
      %dma_start3A_49 = arith.constant 0 : i32
      %dma_start3A_50 = tpu.memref_slice %arg2[%dma_start3A_48, %dma_start3A_49] : memref<10000x128xf32, #tpu.memory_space<hbm>> -> memref<10000x128xf32, #tpu.memory_space<hbm>>
      tpu.enqueue_indirect_dma source(%dma_start3A_50 : memref<10000x128xf32, #tpu.memory_space<hbm>>) target(%arg14 : memref<184x128xf32, #tpu.memory_space<vmem>>) offsets(%arg8 : memref<184xi32, #tpu.memory_space<vmem>>) semaphore(%arg17 : memref<!tpu.dma_semaphore, #tpu.memory_space<semaphore_mem>>)
      %dma_wait3A_51 = arith.constant 0 : i32
      %dma_wait3A_52 = arith.constant 0 : i32
      %dma_wait3A_53 = tpu.memref_slice %arg2[%dma_wait3A_51, %dma_wait3A_52] : memref<10000x128xf32, #tpu.memory_space<hbm>> -> memref<10000x128xf32, #tpu.memory_space<hbm>>
      tpu.wait_indirect_dma semaphore(%arg16 : memref<!tpu.dma_semaphore, #tpu.memory_space<semaphore_mem>>) src(%dma_wait3A_53 : memref<10000x128xf32, #tpu.memory_space<hbm>>) dst(%arg13 : memref<184x128xf32, #tpu.memory_space<vmem>>)
      "tpu.region"() ({
        %run_scoped3A = tpu.sem_alloc : memref<!tpu.dma_semaphore, #tpu.memory_space<semaphore_mem>>
        %dma_start3A_57 = arith.constant 0 : i32
        %dma_start3A_58 = arith.constant 0 : i32
        %dma_start3A_59 = tpu.memref_slice %arg15[%dma_start3A_57, %dma_start3A_58] : memref<10240x128xf32, #tpu.memory_space<vmem_shared>> -> memref<10240x128xf32, #tpu.memory_space<vmem_shared>>
        tpu.enqueue_indirect_dma source(%arg13 : memref<184x128xf32, #tpu.memory_space<vmem>>) target(%dma_start3A_59 : memref<10240x128xf32, #tpu.memory_space<vmem_shared>>) offsets(%arg9 : memref<184xi32, #tpu.memory_space<vmem>>) semaphore(%run_scoped3A : memref<!tpu.dma_semaphore, #tpu.memory_space<semaphore_mem>>) {add = true}
        %dma_wait3A_60 = arith.constant 0 : i32
        %dma_wait3A_61 = arith.constant 0 : i32
        %dma_wait3A_62 = tpu.memref_slice %arg15[%dma_wait3A_60, %dma_wait3A_61] : memref<10240x128xf32, #tpu.memory_space<vmem_shared>> -> memref<10240x128xf32, #tpu.memory_space<vmem_shared>>
        tpu.wait_indirect_dma semaphore(%run_scoped3A : memref<!tpu.dma_semaphore, #tpu.memory_space<semaphore_mem>>) src(%arg13 : memref<184x128xf32, #tpu.memory_space<vmem>>) dst(%dma_wait3A_62 : memref<10240x128xf32, #tpu.memory_space<vmem_shared>>)
        tpu.yield
      }) : () -> ()
      %dma_wait3A_54 = arith.constant 0 : i32
      %dma_wait3A_55 = arith.constant 0 : i32
      %dma_wait3A_56 = tpu.memref_slice %arg2[%dma_wait3A_54, %dma_wait3A_55] : memref<10000x128xf32, #tpu.memory_space<hbm>> -> memref<10000x128xf32, #tpu.memory_space<hbm>>
      tpu.wait_indirect_dma semaphore(%arg17 : memref<!tpu.dma_semaphore, #tpu.memory_space<semaphore_mem>>) src(%dma_wait3A_56 : memref<10000x128xf32, #tpu.memory_space<hbm>>) dst(%arg14 : memref<184x128xf32, #tpu.memory_space<vmem>>)
      "tpu.region"() ({
        %run_scoped3A = tpu.sem_alloc : memref<!tpu.dma_semaphore, #tpu.memory_space<semaphore_mem>>
        %dma_start3A_57 = arith.constant 0 : i32
        %dma_start3A_58 = arith.constant 0 : i32
        %dma_start3A_59 = tpu.memref_slice %arg15[%dma_start3A_57, %dma_start3A_58] : memref<10240x128xf32, #tpu.memory_space<vmem_shared>> -> memref<10240x128xf32, #tpu.memory_space<vmem_shared>>
        tpu.enqueue_indirect_dma source(%arg14 : memref<184x128xf32, #tpu.memory_space<vmem>>) target(%dma_start3A_59 : memref<10240x128xf32, #tpu.memory_space<vmem_shared>>) offsets(%arg10 : memref<184xi32, #tpu.memory_space<vmem>>) semaphore(%run_scoped3A : memref<!tpu.dma_semaphore, #tpu.memory_space<semaphore_mem>>) {add = true}
        %dma_wait3A_60 = arith.constant 0 : i32
        %dma_wait3A_61 = arith.constant 0 : i32
        %dma_wait3A_62 = tpu.memref_slice %arg15[%dma_wait3A_60, %dma_wait3A_61] : memref<10240x128xf32, #tpu.memory_space<vmem_shared>> -> memref<10240x128xf32, #tpu.memory_space<vmem_shared>>
        tpu.wait_indirect_dma semaphore(%run_scoped3A : memref<!tpu.dma_semaphore, #tpu.memory_space<semaphore_mem>>) src(%arg14 : memref<184x128xf32, #tpu.memory_space<vmem>>) dst(%dma_wait3A_62 : memref<10240x128xf32, #tpu.memory_space<vmem_shared>>)
        tpu.yield
      }) : () -> ()
    }
    %scan3A_6 = arith.constant 27 : i32
    %mul3A_7 = arith.constant 10000 : i32
    %mul3A_8 = arith.muli %add3A, %mul3A_7 : i32
    %add3A_9 = arith.constant 9936 : i32
    %add3A_10 = arith.addi %mul3A_8, %add3A_9 : i32
    "tpu.region"() ({
      %run_scoped3A = tpu.sem_alloc : memref<!tpu.dma_semaphore, #tpu.memory_space<semaphore_mem>>
      %dma_start3A_26 = tpu.memref_slice %arg3[%add3A_10] : memref<320000xi32, #tpu.memory_space<hbm>> -> memref<64xi32, #tpu.memory_space<hbm>>
      %dma_start3A_27 = tpu.memref_slice %arg3[%add3A_10] : memref<320000xi32, #tpu.memory_space<hbm>> -> memref<64xi32, #tpu.memory_space<hbm>>
      tpu.enqueue_dma source(%dma_start3A_27 : memref<64xi32, #tpu.memory_space<hbm>>) target(%arg11 : memref<64xi32, #tpu.memory_space<vmem>>) target_semaphore(%run_scoped3A : memref<!tpu.dma_semaphore, #tpu.memory_space<semaphore_mem>>)
      %dma_wait3A_28 = tpu.memref_slice %arg3[%add3A_10] : memref<320000xi32, #tpu.memory_space<hbm>> -> memref<64xi32, #tpu.memory_space<hbm>>
      %dma_wait3A_29 = tpu.memref_slice %arg3[%add3A_10] : memref<320000xi32, #tpu.memory_space<hbm>> -> memref<64xi32, #tpu.memory_space<hbm>>
      tpu.wait_dma2 semaphore(%run_scoped3A : memref<!tpu.dma_semaphore, #tpu.memory_space<semaphore_mem>>) src(%dma_wait3A_29 : memref<64xi32, #tpu.memory_space<hbm>>) dst(%arg11 : memref<64xi32, #tpu.memory_space<vmem>>)
      tpu.yield
    }) : () -> ()
    "tpu.region"() ({
      %run_scoped3A = tpu.sem_alloc : memref<!tpu.dma_semaphore, #tpu.memory_space<semaphore_mem>>
      %dma_start3A_26 = tpu.memref_slice %arg4[%add3A_10] : memref<320000xi32, #tpu.memory_space<hbm>> -> memref<64xi32, #tpu.memory_space<hbm>>
      %dma_start3A_27 = tpu.memref_slice %arg4[%add3A_10] : memref<320000xi32, #tpu.memory_space<hbm>> -> memref<64xi32, #tpu.memory_space<hbm>>
      tpu.enqueue_dma source(%dma_start3A_27 : memref<64xi32, #tpu.memory_space<hbm>>) target(%arg12 : memref<64xi32, #tpu.memory_space<vmem>>) target_semaphore(%run_scoped3A : memref<!tpu.dma_semaphore, #tpu.memory_space<semaphore_mem>>)
      %dma_wait3A_28 = tpu.memref_slice %arg4[%add3A_10] : memref<320000xi32, #tpu.memory_space<hbm>> -> memref<64xi32, #tpu.memory_space<hbm>>
      %dma_wait3A_29 = tpu.memref_slice %arg4[%add3A_10] : memref<320000xi32, #tpu.memory_space<hbm>> -> memref<64xi32, #tpu.memory_space<hbm>>
      tpu.wait_dma2 semaphore(%run_scoped3A : memref<!tpu.dma_semaphore, #tpu.memory_space<semaphore_mem>>) src(%dma_wait3A_29 : memref<64xi32, #tpu.memory_space<hbm>>) dst(%arg12 : memref<64xi32, #tpu.memory_space<vmem>>)
      tpu.yield
    }) : () -> ()
    %dma_start3A = arith.constant 0 : i32
    %dma_start3A_11 = arith.constant 0 : i32
    %dma_start3A_12 = tpu.memref_slice %arg13[%dma_start3A, %dma_start3A_11] : memref<184x128xf32, #tpu.memory_space<vmem>> -> memref<64x128xf32, #tpu.memory_space<vmem>>
    %dma_start3A_13 = arith.constant 0 : i32
    %dma_start3A_14 = arith.constant 0 : i32
    %dma_start3A_15 = tpu.memref_slice %arg2[%dma_start3A_13, %dma_start3A_14] : memref<10000x128xf32, #tpu.memory_space<hbm>> -> memref<10000x128xf32, #tpu.memory_space<hbm>>
    tpu.enqueue_indirect_dma source(%dma_start3A_15 : memref<10000x128xf32, #tpu.memory_space<hbm>>) target(%dma_start3A_12 : memref<64x128xf32, #tpu.memory_space<vmem>>) offsets(%arg11 : memref<64xi32, #tpu.memory_space<vmem>>) semaphore(%arg16 : memref<!tpu.dma_semaphore, #tpu.memory_space<semaphore_mem>>)
    %dma_wait3A = arith.constant 0 : i32
    %dma_wait3A_16 = arith.constant 0 : i32
    %dma_wait3A_17 = tpu.memref_slice %arg13[%dma_wait3A, %dma_wait3A_16] : memref<184x128xf32, #tpu.memory_space<vmem>> -> memref<64x128xf32, #tpu.memory_space<vmem>>
    %dma_wait3A_18 = arith.constant 0 : i32
    %dma_wait3A_19 = arith.constant 0 : i32
    %dma_wait3A_20 = tpu.memref_slice %arg2[%dma_wait3A_18, %dma_wait3A_19] : memref<10000x128xf32, #tpu.memory_space<hbm>> -> memref<10000x128xf32, #tpu.memory_space<hbm>>
    tpu.wait_indirect_dma semaphore(%arg16 : memref<!tpu.dma_semaphore, #tpu.memory_space<semaphore_mem>>) src(%dma_wait3A_20 : memref<10000x128xf32, #tpu.memory_space<hbm>>) dst(%dma_wait3A_17 : memref<64x128xf32, #tpu.memory_space<vmem>>)
    "tpu.region"() ({
      %run_scoped3A = tpu.sem_alloc : memref<!tpu.dma_semaphore, #tpu.memory_space<semaphore_mem>>
      %dma_start3A_26 = arith.constant 0 : i32
      %dma_start3A_27 = arith.constant 0 : i32
      %dma_start3A_28 = tpu.memref_slice %arg13[%dma_start3A_26, %dma_start3A_27] : memref<184x128xf32, #tpu.memory_space<vmem>> -> memref<64x128xf32, #tpu.memory_space<vmem>>
      %dma_start3A_29 = arith.constant 0 : i32
      %dma_start3A_30 = arith.constant 0 : i32
      %dma_start3A_31 = tpu.memref_slice %arg15[%dma_start3A_29, %dma_start3A_30] : memref<10240x128xf32, #tpu.memory_space<vmem_shared>> -> memref<10240x128xf32, #tpu.memory_space<vmem_shared>>
      tpu.enqueue_indirect_dma source(%dma_start3A_28 : memref<64x128xf32, #tpu.memory_space<vmem>>) target(%dma_start3A_31 : memref<10240x128xf32, #tpu.memory_space<vmem_shared>>) offsets(%arg12 : memref<64xi32, #tpu.memory_space<vmem>>) semaphore(%run_scoped3A : memref<!tpu.dma_semaphore, #tpu.memory_space<semaphore_mem>>) {add = true}
      %dma_wait3A_32 = arith.constant 0 : i32
      %dma_wait3A_33 = arith.constant 0 : i32
      %dma_wait3A_34 = tpu.memref_slice %arg13[%dma_wait3A_32, %dma_wait3A_33] : memref<184x128xf32, #tpu.memory_space<vmem>> -> memref<64x128xf32, #tpu.memory_space<vmem>>
      %dma_wait3A_35 = arith.constant 0 : i32
      %dma_wait3A_36 = arith.constant 0 : i32
      %dma_wait3A_37 = tpu.memref_slice %arg15[%dma_wait3A_35, %dma_wait3A_36] : memref<10240x128xf32, #tpu.memory_space<vmem_shared>> -> memref<10240x128xf32, #tpu.memory_space<vmem_shared>>
      tpu.wait_indirect_dma semaphore(%run_scoped3A : memref<!tpu.dma_semaphore, #tpu.memory_space<semaphore_mem>>) src(%dma_wait3A_34 : memref<64x128xf32, #tpu.memory_space<vmem>>) dst(%dma_wait3A_37 : memref<10240x128xf32, #tpu.memory_space<vmem_shared>>)
      tpu.yield
    }) : () -> ()
    %barrier3A_21 = arith.constant 0 : index
    tpu.barrier barrier_id(%barrier3A_21)
    %mul3A_22 = arith.constant 640 : i32
    %mul3A_23 = arith.muli %arg1, %mul3A_22 : i32
    %mul3A_24 = arith.constant 640 : i32
    %mul3A_25 = arith.muli %arg1, %mul3A_24 : i32
    "tpu.region"() ({
      %run_scoped3A = tpu.sem_alloc : memref<!tpu.dma_semaphore, #tpu.memory_space<semaphore_mem>>
      %dma_start3A_26 = arith.constant 0 : i32
      %dma_start3A_27 = arith.constant 0 : i32
      %dma_start3A_28 = tpu.memref_slice %arg6[%arg0, %dma_start3A_26, %dma_start3A_27] : memref<2x10240x128xf32, #tpu.memory_space<hbm>> -> memref<1x10240x128xf32, #tpu.memory_space<hbm>>
      %dma_start3A_29 = tpu.memref_squeeze %dma_start3A_28 : memref<1x10240x128xf32, #tpu.memory_space<hbm>> -> memref<10240x128xf32, #tpu.memory_space<hbm>>
      %dma_start3A_30 = arith.constant 0 : i32
      %dma_start3A_31 = tpu.memref_slice %dma_start3A_29[%mul3A_25, %dma_start3A_30] : memref<10240x128xf32, #tpu.memory_space<hbm>> -> memref<640x128xf32, #tpu.memory_space<hbm>>
      %dma_start3A_32 = arith.constant 0 : i32
      %dma_start3A_33 = tpu.memref_slice %arg15[%mul3A_23, %dma_start3A_32] : memref<10240x128xf32, #tpu.memory_space<vmem_shared>> -> memref<640x128xf32, #tpu.memory_space<vmem_shared>>
      tpu.enqueue_dma source(%dma_start3A_33 : memref<640x128xf32, #tpu.memory_space<vmem_shared>>) target(%dma_start3A_31 : memref<640x128xf32, #tpu.memory_space<hbm>>) target_semaphore(%run_scoped3A : memref<!tpu.dma_semaphore, #tpu.memory_space<semaphore_mem>>)
      %dma_wait3A_34 = arith.constant 0 : i32
      %dma_wait3A_35 = arith.constant 0 : i32
      %dma_wait3A_36 = tpu.memref_slice %arg6[%arg0, %dma_wait3A_34, %dma_wait3A_35] : memref<2x10240x128xf32, #tpu.memory_space<hbm>> -> memref<1x10240x128xf32, #tpu.memory_space<hbm>>
      %dma_wait3A_37 = tpu.memref_squeeze %dma_wait3A_36 : memref<1x10240x128xf32, #tpu.memory_space<hbm>> -> memref<10240x128xf32, #tpu.memory_space<hbm>>
      %dma_wait3A_38 = arith.constant 0 : i32
      %dma_wait3A_39 = tpu.memref_slice %dma_wait3A_37[%mul3A_25, %dma_wait3A_38] : memref<10240x128xf32, #tpu.memory_space<hbm>> -> memref<640x128xf32, #tpu.memory_space<hbm>>
      %dma_wait3A_40 = arith.constant 0 : i32
      %dma_wait3A_41 = tpu.memref_slice %arg15[%mul3A_23, %dma_wait3A_40] : memref<10240x128xf32, #tpu.memory_space<vmem_shared>> -> memref<640x128xf32, #tpu.memory_space<vmem_shared>>
      tpu.wait_dma2 semaphore(%run_scoped3A : memref<!tpu.dma_semaphore, #tpu.memory_space<semaphore_mem>>) src(%dma_wait3A_41 : memref<640x128xf32, #tpu.memory_space<vmem_shared>>) dst(%dma_wait3A_39 : memref<640x128xf32, #tpu.memory_space<hbm>>)
      tpu.yield
    }) : () -> ()
    return
  }
}

module attributes {stable_mosaic.version = 14 : i64} {
  func.func @_pre_body(%arg0: i32, %arg1: memref<1000x128xf32, #tpu.memory_space<vmem>>, %arg2: memref<2x1000x16xf32, #tpu.memory_space<vmem>>, %arg3: memref<128x128xf32, #tpu.memory_space<vmem>>, %arg4: memref<1000x128xf32, #tpu.memory_space<vmem>>, %arg5: memref<1000x16xf32, #tpu.memory_space<vmem>>) attributes {dimension_semantics = [#tpu.dimension_semantics<arbitrary>], iteration_bounds = array<i64: 10>, scalar_prefetch = 0 : i64, scratch_operands = 0 : i64, tpu.core_type = #tpu.core_type<tc>, window_params = [{transform_indices = @transform_0, window_bounds = array<i64: 1000, 128>}, {transform_indices = @transform_1, window_bounds = array<i64: 2, 1000, 16>}, {pipeline_mode = #tpu.pipeline_mode<synchronous>, transform_indices = @transform_2, window_bounds = array<i64: 128, 128>}, {transform_indices = @transform_3, window_bounds = array<i64: 1000, 128>}, {transform_indices = @transform_4, window_bounds = array<i64: 1000, 16>}]} {
    %get3A = arith.constant 0 : index
    %get3A_0 = arith.constant 0 : index
    %get3A_1 = arith.constant 0 : index
    %get3A_2 = vector.load %arg2[%get3A, %get3A_0, %get3A_1] : memref<2x1000x16xf32, #tpu.memory_space<vmem>>, vector<1x1000x16xf32>
    %get3A_3 = vector.shape_cast %get3A_2 : vector<1x1000x16xf32> to vector<1000x16xf32>
    %get3A_4 = arith.constant 1 : index
    %get3A_5 = arith.constant 0 : index
    %get3A_6 = arith.constant 0 : index
    %get3A_7 = vector.load %arg2[%get3A_4, %get3A_5, %get3A_6] : memref<2x1000x16xf32, #tpu.memory_space<vmem>>, vector<1x1000x16xf32>
    %get3A_8 = vector.shape_cast %get3A_7 : vector<1x1000x16xf32> to vector<1000x16xf32>
    %add3A = arith.addf %get3A_3, %get3A_8 : vector<1000x16xf32>
    %add3A_9 = arith.constant 1.000000e+00 : f32
    %add3A_10 = vector.broadcast %add3A_9 : f32 to vector<1000x16xf32>
    %add3A_11 = arith.addf %add3A, %add3A_10 : vector<1000x16xf32>
    %rsqrt3A = math.rsqrt %add3A_11 : vector<1000x16xf32>
    %get3A_12 = arith.constant 0 : index
    %get3A_13 = arith.constant 0 : index
    %get3A_14 = vector.load %arg1[%get3A_12, %get3A_13] : memref<1000x128xf32, #tpu.memory_space<vmem>>, vector<1000x128xf32>
    %get3A_15 = arith.constant 0 : index
    %get3A_16 = arith.constant 0 : index
    %get3A_17 = vector.load %arg3[%get3A_15, %get3A_16] : memref<128x128xf32, #tpu.memory_space<vmem>>, vector<128x128xf32>
    %dot_general3A = arith.constant dense<0.000000e+00> : vector<1000x128xf32>
    %dot_general3A_18 = tpu.matmul %get3A_14, %get3A_17, %dot_general3A {dimension_numbers = #tpu.dot_dimension_numbers<[1], [0], [0], [1], [0, 0, 1, 1], [], []>, transpose_lhs_hint = false} : vector<1000x128xf32>, vector<128x128xf32>, vector<1000x128xf32> -> vector<1000x128xf32>
    %slice3A = vector.extract_strided_slice %rsqrt3A {offsets = [0, 0], sizes = [1000, 1], strides = [1, 1]} : vector<1000x16xf32> to vector<1000x1xf32>
    %mul3A = vector.broadcast %slice3A : vector<1000x1xf32> to vector<1000x128xf32>
    %mul3A_19 = arith.mulf %mul3A, %dot_general3A_18 : vector<1000x128xf32>
    %swap3A = arith.constant 0 : index
    %swap3A_20 = arith.constant 0 : index
    %swap3A_21 = vector.load %arg4[%swap3A, %swap3A_20] : memref<1000x128xf32, #tpu.memory_space<vmem>>, vector<1000x128xf32>
    tpu.vector_store %arg4[%swap3A, %swap3A_20], %mul3A_19 {strides = array<i32>} : memref<1000x128xf32, #tpu.memory_space<vmem>>, vector<1000x128xf32>,
    %swap3A_22 = arith.constant 0 : index
    %swap3A_23 = arith.constant 0 : index
    %swap3A_24 = vector.load %arg5[%swap3A_22, %swap3A_23] : memref<1000x16xf32, #tpu.memory_space<vmem>>, vector<1000x16xf32>
    tpu.vector_store %arg5[%swap3A_22, %swap3A_23], %rsqrt3A {strides = array<i32>} : memref<1000x16xf32, #tpu.memory_space<vmem>>, vector<1000x16xf32>,
    return
  }
  func.func @transform_0(%arg0: i32) -> (i32, i32) {
    %c0_i32 = arith.constant 0 : i32
    %c0_i32_0 = arith.constant 0 : i32
    return %arg0, %c0_i32 : i32, i32
  }
  func.func @transform_1(%arg0: i32) -> (i32, i32, i32) {
    %c0_i32 = arith.constant 0 : i32
    %c0_i32_0 = arith.constant 0 : i32
    %c0_i32_1 = arith.constant 0 : i32
    return %c0_i32, %arg0, %c0_i32_0 : i32, i32, i32
  }
  func.func @transform_2(%arg0: i32) -> (i32, i32) {
    %c0_i32 = arith.constant 0 : i32
    %c0_i32_0 = arith.constant 0 : i32
    %c0_i32_1 = arith.constant 0 : i32
    return %c0_i32, %c0_i32_0 : i32, i32
  }
  func.func @transform_3(%arg0: i32) -> (i32, i32) {
    %c0_i32 = arith.constant 0 : i32
    %c0_i32_0 = arith.constant 0 : i32
    return %arg0, %c0_i32 : i32, i32
  }
  func.func @transform_4(%arg0: i32) -> (i32, i32) {
    %c0_i32 = arith.constant 0 : i32
    %c0_i32_0 = arith.constant 0 : i32
    return %arg0, %c0_i32 : i32, i32
  }
}

module attributes {stable_mosaic.version = 14 : i64} {
  func.func @_mid_body(%arg0: i32, %arg1: memref<2x1000x128xf32, #tpu.memory_space<vmem>>, %arg2: memref<1000x128xf32, #tpu.memory_space<vmem>>, %arg3: memref<1000x16xf32, #tpu.memory_space<vmem>>, %arg4: memref<1x128xf32, #tpu.memory_space<vmem>>, %arg5: memref<128x128xf32, #tpu.memory_space<vmem>>, %arg6: memref<1000x128xf32, #tpu.memory_space<vmem>>) attributes {dimension_semantics = [#tpu.dimension_semantics<arbitrary>], iteration_bounds = array<i64: 10>, scalar_prefetch = 0 : i64, scratch_operands = 0 : i64, tpu.core_type = #tpu.core_type<tc>, window_params = [{transform_indices = @transform_0, window_bounds = array<i64: 2, 1000, 128>}, {transform_indices = @transform_1, window_bounds = array<i64: 1000, 128>}, {transform_indices = @transform_2, window_bounds = array<i64: 1000, 16>}, {pipeline_mode = #tpu.pipeline_mode<synchronous>, transform_indices = @transform_3, window_bounds = array<i64: 1, 128>}, {pipeline_mode = #tpu.pipeline_mode<synchronous>, transform_indices = @transform_4, window_bounds = array<i64: 128, 128>}, {transform_indices = @transform_5, window_bounds = array<i64: 1000, 128>}]} {
    %get3A = arith.constant 0 : index
    %get3A_0 = arith.constant 0 : index
    %get3A_1 = vector.load %arg3[%get3A, %get3A_0] : memref<1000x16xf32, #tpu.memory_space<vmem>>, vector<1000x1xf32>
    %get3A_2 = arith.constant 0 : index
    %get3A_3 = arith.constant 0 : index
    %get3A_4 = arith.constant 0 : index
    %get3A_5 = vector.load %arg1[%get3A_2, %get3A_3, %get3A_4] : memref<2x1000x128xf32, #tpu.memory_space<vmem>>, vector<1x1000x128xf32>
    %get3A_6 = vector.shape_cast %get3A_5 : vector<1x1000x128xf32> to vector<1000x128xf32>
    %get3A_7 = arith.constant 1 : index
    %get3A_8 = arith.constant 0 : index
    %get3A_9 = arith.constant 0 : index
    %get3A_10 = vector.load %arg1[%get3A_7, %get3A_8, %get3A_9] : memref<2x1000x128xf32, #tpu.memory_space<vmem>>, vector<1x1000x128xf32>
    %get3A_11 = vector.shape_cast %get3A_10 : vector<1x1000x128xf32> to vector<1000x128xf32>
    %add3A = arith.addf %get3A_6, %get3A_11 : vector<1000x128xf32>
    %get3A_12 = arith.constant 0 : index
    %get3A_13 = arith.constant 0 : index
    %get3A_14 = vector.load %arg2[%get3A_12, %get3A_13] : memref<1000x128xf32, #tpu.memory_space<vmem>>, vector<1000x128xf32>
    %add3A_15 = arith.addf %add3A, %get3A_14 : vector<1000x128xf32>
    %mul3A = vector.broadcast %get3A_1 : vector<1000x1xf32> to vector<1000x128xf32>
    %mul3A_16 = arith.mulf %mul3A, %add3A_15 : vector<1000x128xf32>
    %get3A_17 = arith.constant 0 : index
    %get3A_18 = arith.constant 0 : index
    %get3A_19 = vector.load %arg4[%get3A_17, %get3A_18] : memref<1x128xf32, #tpu.memory_space<vmem>>, vector<1x128xf32>
    %add3A_20 = vector.broadcast %get3A_19 : vector<1x128xf32> to vector<1000x128xf32>
    %add3A_21 = arith.addf %mul3A_16, %add3A_20 : vector<1000x128xf32>
    %max3A = arith.constant 0.000000e+00 : f32
    %max3A_22 = vector.broadcast %max3A : f32 to vector<1000x128xf32>
    %max3A_23 = arith.maximumf %add3A_21, %max3A_22 : vector<1000x128xf32>
    %get3A_24 = arith.constant 0 : index
    %get3A_25 = arith.constant 0 : index
    %get3A_26 = vector.load %arg5[%get3A_24, %get3A_25] : memref<128x128xf32, #tpu.memory_space<vmem>>, vector<128x128xf32>
    %dot_general3A = arith.constant dense<0.000000e+00> : vector<1000x128xf32>
    %dot_general3A_27 = tpu.matmul %max3A_23, %get3A_26, %dot_general3A {dimension_numbers = #tpu.dot_dimension_numbers<[1], [0], [0], [1], [0, 0, 1, 1], [], []>, transpose_lhs_hint = false} : vector<1000x128xf32>, vector<128x128xf32>, vector<1000x128xf32> -> vector<1000x128xf32>
    %mul3A_28 = vector.broadcast %get3A_1 : vector<1000x1xf32> to vector<1000x128xf32>
    %mul3A_29 = arith.mulf %mul3A_28, %dot_general3A_27 : vector<1000x128xf32>
    %swap3A = arith.constant 0 : index
    %swap3A_30 = arith.constant 0 : index
    %swap3A_31 = vector.load %arg6[%swap3A, %swap3A_30] : memref<1000x128xf32, #tpu.memory_space<vmem>>, vector<1000x128xf32>
    tpu.vector_store %arg6[%swap3A, %swap3A_30], %mul3A_29 {strides = array<i32>} : memref<1000x128xf32, #tpu.memory_space<vmem>>, vector<1000x128xf32>,
    return
  }
  func.func @transform_0(%arg0: i32) -> (i32, i32, i32) {
    %c0_i32 = arith.constant 0 : i32
    %c0_i32_0 = arith.constant 0 : i32
    %c0_i32_1 = arith.constant 0 : i32
    return %c0_i32, %arg0, %c0_i32_0 : i32, i32, i32
  }
  func.func @transform_1(%arg0: i32) -> (i32, i32) {
    %c0_i32 = arith.constant 0 : i32
    %c0_i32_0 = arith.constant 0 : i32
    return %arg0, %c0_i32 : i32, i32
  }
  func.func @transform_2(%arg0: i32) -> (i32, i32) {
    %c0_i32 = arith.constant 0 : i32
    %c0_i32_0 = arith.constant 0 : i32
    return %arg0, %c0_i32 : i32, i32
  }
  func.func @transform_3(%arg0: i32) -> (i32, i32) {
    %c0_i32 = arith.constant 0 : i32
    %c0_i32_0 = arith.constant 0 : i32
    %c0_i32_1 = arith.constant 0 : i32
    return %c0_i32, %c0_i32_0 : i32, i32
  }
  func.func @transform_4(%arg0: i32) -> (i32, i32) {
    %c0_i32 = arith.constant 0 : i32
    %c0_i32_0 = arith.constant 0 : i32
    %c0_i32_1 = arith.constant 0 : i32
    return %c0_i32, %c0_i32_0 : i32, i32
  }
  func.func @transform_5(%arg0: i32) -> (i32, i32) {
    %c0_i32 = arith.constant 0 : i32
    %c0_i32_0 = arith.constant 0 : i32
    return %arg0, %c0_i32 : i32, i32
  }
}

module attributes {stable_mosaic.version = 14 : i64} {
  func.func @_fin_body(%arg0: i32, %arg1: memref<2x1000x128xf32, #tpu.memory_space<vmem>>, %arg2: memref<1000x128xf32, #tpu.memory_space<vmem>>, %arg3: memref<1000x16xf32, #tpu.memory_space<vmem>>, %arg4: memref<1x128xf32, #tpu.memory_space<vmem>>, %arg5: memref<1000x128xf32, #tpu.memory_space<vmem>>) attributes {dimension_semantics = [#tpu.dimension_semantics<arbitrary>], iteration_bounds = array<i64: 10>, scalar_prefetch = 0 : i64, scratch_operands = 0 : i64, tpu.core_type = #tpu.core_type<tc>, window_params = [{transform_indices = @transform_0, window_bounds = array<i64: 2, 1000, 128>}, {transform_indices = @transform_1, window_bounds = array<i64: 1000, 128>}, {transform_indices = @transform_2, window_bounds = array<i64: 1000, 16>}, {pipeline_mode = #tpu.pipeline_mode<synchronous>, transform_indices = @transform_3, window_bounds = array<i64: 1, 128>}, {transform_indices = @transform_4, window_bounds = array<i64: 1000, 128>}]} {
    %get3A = arith.constant 0 : index
    %get3A_0 = arith.constant 0 : index
    %get3A_1 = vector.load %arg3[%get3A, %get3A_0] : memref<1000x16xf32, #tpu.memory_space<vmem>>, vector<1000x1xf32>
    %get3A_2 = arith.constant 0 : index
    %get3A_3 = arith.constant 0 : index
    %get3A_4 = arith.constant 0 : index
    %get3A_5 = vector.load %arg1[%get3A_2, %get3A_3, %get3A_4] : memref<2x1000x128xf32, #tpu.memory_space<vmem>>, vector<1x1000x128xf32>
    %get3A_6 = vector.shape_cast %get3A_5 : vector<1x1000x128xf32> to vector<1000x128xf32>
    %get3A_7 = arith.constant 1 : index
    %get3A_8 = arith.constant 0 : index
    %get3A_9 = arith.constant 0 : index
    %get3A_10 = vector.load %arg1[%get3A_7, %get3A_8, %get3A_9] : memref<2x1000x128xf32, #tpu.memory_space<vmem>>, vector<1x1000x128xf32>
    %get3A_11 = vector.shape_cast %get3A_10 : vector<1x1000x128xf32> to vector<1000x128xf32>
    %add3A = arith.addf %get3A_6, %get3A_11 : vector<1000x128xf32>
    %get3A_12 = arith.constant 0 : index
    %get3A_13 = arith.constant 0 : index
    %get3A_14 = vector.load %arg2[%get3A_12, %get3A_13] : memref<1000x128xf32, #tpu.memory_space<vmem>>, vector<1000x128xf32>
    %add3A_15 = arith.addf %add3A, %get3A_14 : vector<1000x128xf32>
    %mul3A = vector.broadcast %get3A_1 : vector<1000x1xf32> to vector<1000x128xf32>
    %mul3A_16 = arith.mulf %mul3A, %add3A_15 : vector<1000x128xf32>
    %get3A_17 = arith.constant 0 : index
    %get3A_18 = arith.constant 0 : index
    %get3A_19 = vector.load %arg4[%get3A_17, %get3A_18] : memref<1x128xf32, #tpu.memory_space<vmem>>, vector<1x128xf32>
    %add3A_20 = vector.broadcast %get3A_19 : vector<1x128xf32> to vector<1000x128xf32>
    %add3A_21 = arith.addf %mul3A_16, %add3A_20 : vector<1000x128xf32>
    %max3A = arith.constant 0.000000e+00 : f32
    %max3A_22 = vector.broadcast %max3A : f32 to vector<1000x128xf32>
    %max3A_23 = arith.maximumf %add3A_21, %max3A_22 : vector<1000x128xf32>
    %swap3A = arith.constant 0 : index
    %swap3A_24 = arith.constant 0 : index
    %swap3A_25 = vector.load %arg5[%swap3A, %swap3A_24] : memref<1000x128xf32, #tpu.memory_space<vmem>>, vector<1000x128xf32>
    tpu.vector_store %arg5[%swap3A, %swap3A_24], %max3A_23 {strides = array<i32>} : memref<1000x128xf32, #tpu.memory_space<vmem>>, vector<1000x128xf32>,
    return
  }
  func.func @transform_0(%arg0: i32) -> (i32, i32, i32) {
    %c0_i32 = arith.constant 0 : i32
    %c0_i32_0 = arith.constant 0 : i32
    %c0_i32_1 = arith.constant 0 : i32
    return %c0_i32, %arg0, %c0_i32_0 : i32, i32, i32
  }
  func.func @transform_1(%arg0: i32) -> (i32, i32) {
    %c0_i32 = arith.constant 0 : i32
    %c0_i32_0 = arith.constant 0 : i32
    return %arg0, %c0_i32 : i32, i32
  }
  func.func @transform_2(%arg0: i32) -> (i32, i32) {
    %c0_i32 = arith.constant 0 : i32
    %c0_i32_0 = arith.constant 0 : i32
    return %arg0, %c0_i32 : i32, i32
  }
  func.func @transform_3(%arg0: i32) -> (i32, i32) {
    %c0_i32 = arith.constant 0 : i32
    %c0_i32_0 = arith.constant 0 : i32
    %c0_i32_1 = arith.constant 0 : i32
    return %c0_i32, %c0_i32_0 : i32, i32
  }
  func.func @transform_4(%arg0: i32) -> (i32, i32) {
    %c0_i32 = arith.constant 0 : i32
    %c0_i32_0 = arith.constant 0 : i32
    return %arg0, %c0_i32 : i32, i32
  }
}

</mosaic_0001>

<sc_bundles>
// kernel: kernel.11.cloned.1.call-start
scs
__scs_entry_jumppad:
0x0: {  	(pc) =	sbr.rel $0x88, $3  }
0x1: {  	(tag) =	ssettag $0x0;
	lr =	simm.s32 $0x1  }
0x2: {  	[smem:$0x3F9B] =	sst lr;
	_ =	strace $0xD0000000  }
0x3: {  	_ = 	snop  }
0x4: {  	_ = 	snop  }
0x5: {  	_ = 	snop  }
0x6: {  	_ = 	snop  }
0x7: {  	_ = 	snop  }
__scs_overlays_trampoline_lowered:
0x8: {  	[smem:$0x3FAA] =	sst s0  }
0x9: {  	[smem:$0x3FAB] =	sst s1  }
0xa: {  	[smem:$0x3FAC] =	sst s2  }
0xb: {  	[smem:$0x3FAD] =	sst s3  }
0xc: {  	[smem:$0x3FAE] =	sst s4  }
0xd: {  	[smem:$0x3FAF] =	sst s5  }
0xe: {  	[smem:$0x3FB0] =	sst s6  }
0xf: {  	[smem:$0x3FB1] =	sst s7  }
0x10: {  	[smem:$0x3FB2] =	sst s8  }
0x11: {  	[smem:$0x3FB3] =	sst s9;
	s0 =	simm.s32 @!p0 $0x0  }
0x12: {  	s1 =	sld [smem:$0x3F99];
	s0 =	simm.s32 @p0 $0x1  }
0x13: {  	[smem:$0x3FB4] =	sst s0;
	s0 =	simm.s32 @!p1 $0x0  }
0x14: {  	s2 =	sld [smem:$0x3F98];
	s0 =	simm.s32 @p1 $0x1  }
0x15: {  	[smem:$0x3FB5] =	sst s0;
	s0 =	simm.s32 @!p2 $0x0  }
0x16: {  	s3 =	sld [smem:$0x3FDB];
	s0 =	simm.s32 @p2 $0x1  }
0x17: {  	s4 =	simm.s32 $0x1BF5;
	[smem:$0x3FB7] =	sst s0  }
0x18: {  	s0 =	sld [smem:$0x3F9A];
	_ =	swait.ge [sflag:s4], $0x0  }
0x19: {  	s7 =	sld [smem:$0x3F9B]  }
0x1a: {  	s8 =	sadd.s32 $0xFFFFE003, lr  }
0x1b: {  	s9 =	sadd.s32 $0xFFFFFEF7, lr;
	s5 =	simm.s32 $0xFFFFFFFF;
	p2 =	slt.u32 s8, $0xFFFFF086  }
0x1c: {  	p1 =	slt.u32 s9, $0xF7A;
	s5 =	simm.s32 @!p2 $0x0  }
0x1d: {  	s5 =	simm.s32 @p1 $0x1;
	p0 =	seq.s32 s7, s2  }
0x1e: {  	s7 =	smul.u32 @!p0 $0xF7A, s2;
	p2 =	seq.s32 @!p0 s5, $0x0  }
0x1f: {  	s9 =	smul.u32 $0xF7A, s1;
	s8 =	simm.s32 @!p0 $0x1BF5;
	p2 =	por !p2, p0  }
0x20: {  	[sflag:s8] =	ssyncset.s32 @!p0 $0xFFFFF086;
	s6 =	sadd.s32 @!p0 s3, s7;
	s7 =	simm.s32 @!p0 $0x108  }
0x21: {  	s3 =	sadd.s32 s3, s9;
	s6 =	sadd.s32 @!p0 $0x88, s6;
	s7 =	simm.s32 @p2 $0x1082  }
0x22: {  	[simem:s7], [sflag:s8] =	dma.local @!p0 [hbm:s6], $0xF7A  }
0x23: {  	s9 =	sor.u32 $0xD0000000, s2;
	s6 =	simm.s32 $0x108;
	_ =	swait.ge @!p0 [sflag:s8], $0x0  }
0x24: {  	s3 =	sadd.s32 $0x88, s3;
	s6 =	simm.s32 @!p1 $0x1082;
	[sflag:s4] =	ssyncset.s32 $0xFFFFF086  }
0x25: {  	[simem:s6], [sflag:s4] =	dma.local [hbm:s3], $0xF7A  }
0x26: {  	[smem:$0x3F9B] =	sst s1;
	(tag) =	ssettag s2;
	_ =	strace s9  }
0x27: {  	s1 =	sld [smem:$0x3FAB]  }
0x28: {  	s2 =	sld [smem:$0x3FAC]  }
0x29: {  	s4 =	sld [smem:$0x3FAE]  }
0x2a: {  	p0 =	seq.s32 s5, $0x0;
	s5 =	sld [smem:$0x3FAF]  }
0x2b: {  	s6 =	sld [smem:$0x3FB0]  }
0x2c: {  	s7 =	sld [smem:$0x3FB1]  }
0x2d: {  	s3 =	simm.s32 $0x108;
	s8 =	sld [smem:$0x3FB2]  }
0x2e: {  	s3 =	simm.s32 @!p0 $0x1082;
	s9 =	sld [smem:$0x3FB3]  }
0x2f: {  	lr =	sadd.s32 s0, s3;
	s0 =	sld [smem:$0x3FAA]  }
0x30: {  	s3 =	sld [smem:$0x3FAD]  }
0x31: {  	[smem:$0x3FB6] =	sst s10  }
0x32: {  	s10 =	sld [smem:$0x3FB4];
	_ =	sdelay $0x3  }
0x33: {  	p0 =	seq.s32 s10, $0x1;
	s10 =	sld [smem:$0x3FB6];
	_ =	sdelay $0x3  }
0x34: {  	[smem:$0x3FB6] =	sst s10  }
0x35: {  	s10 =	sld [smem:$0x3FB5];
	_ =	sdelay $0x3  }
0x36: {  	p1 =	seq.s32 s10, $0x1;
	s10 =	sld [smem:$0x3FB6];
	_ =	sdelay $0x3  }
0x37: {  	[smem:$0x3FB6] =	sst s10  }
0x38: {  	s10 =	sld [smem:$0x3FB7]  }
0x39: {  	_ = 	snop;
	(pc) =	sbr.ind lr, $3  }
0x3a: {  	_ = 	snop  }
0x3b: {  	_ = 	snop  }
0x3c: {  	p2 =	seq.s32 s10, $0x1;
	s10 =	sld [smem:$0x3FB6]  }
0x3d: {  	_ =	shalt  }
0x3e: {  	_ =	shalt  }
0x3f: {  	_ =	shalt  }
0x40: {  	_ =	shalt  }
0x41: {  	_ =	shalt  }
0x42: {  	_ =	shalt  }
0x43: {  	_ =	shalt  }
0x44: {  	_ =	shalt  }
0x45: {  	_ =	shalt  }
0x46: {  	_ =	shalt  }
0x47: {  	_ =	shalt  }
0x48: {  	_ =	shalt  }
0x49: {  	_ =	shalt  }
0x4a: {  	_ =	shalt  }
0x4b: {  	_ =	shalt  }
0x4c: {  	_ =	shalt  }
0x4d: {  	_ =	shalt  }
0x4e: {  	_ =	shalt  }
0x4f: {  	_ =	shalt  }
0x50: {  	_ =	shalt  }
0x51: {  	_ =	shalt  }
0x52: {  	_ =	shalt  }
0x53: {  	_ =	shalt  }
0x54: {  	_ =	shalt  }
0x55: {  	_ =	shalt  }
0x56: {  	_ =	shalt  }
0x57: {  	_ =	shalt  }
0x58: {  	_ =	shalt  }
0x59: {  	_ =	shalt  }
0x5a: {  	_ =	shalt  }
0x5b: {  	_ =	shalt  }
0x5c: {  	_ =	shalt  }
0x5d: {  	_ =	shalt  }
0x5e: {  	_ =	shalt  }
0x5f: {  	_ =	shalt  }
0x60: {  	_ =	shalt  }
0x61: {  	_ =	shalt  }
0x62: {  	_ =	shalt  }
0x63: {  	_ =	shalt  }
0x64: {  	_ =	shalt  }
0x65: {  	_ =	shalt  }
0x66: {  	_ =	shalt  }
0x67: {  	_ =	shalt  }
0x68: {  	_ =	shalt  }
0x69: {  	_ =	shalt  }
0x6a: {  	_ =	shalt  }
0x6b: {  	_ =	shalt  }
0x6c: {  	_ =	shalt  }
0x6d: {  	_ =	shalt  }
0x6e: {  	_ =	shalt  }
0x6f: {  	_ =	shalt  }
0x70: {  	_ =	shalt  }
0x71: {  	_ =	shalt  }
0x72: {  	_ =	shalt  }
0x73: {  	_ =	shalt  }
0x74: {  	_ =	shalt  }
0x75: {  	_ =	shalt  }
0x76: {  	_ =	shalt  }
0x77: {  	_ =	shalt  }
0x78: {  	_ =	shalt  }
0x79: {  	_ =	shalt  }
0x7a: {  	_ =	shalt  }
0x7b: {  	_ =	shalt  }
0x7c: {  	_ =	shalt  }
0x7d: {  	_ =	shalt  }
0x7e: {  	_ =	shalt  }
0x7f: {  	_ =	shalt  }
0x80: {  	_ =	shalt  }
0x81: {  	_ =	shalt  }
0x82: {  	_ =	shalt  }
0x83: {  	_ =	shalt  }
0x84: {  	_ =	shalt  }
0x85: {  	_ =	shalt  }
0x86: {  	_ =	shalt  }
0x87: {  	_ =	shalt  }
.Lfunc_end0:
.L_simem_size_0:
called_computation.1_lowered:
.L_overlay_start_0:
0x88: {  	s2 =	sld [smem:$0x3FD9]  }
0x89: {  	s3 =	sld [smem:$0x3FFE];
	_ =	sdelay $0x1  }
0x8a: {  	s1 =	srdreg.scid  }
0x8b: {  	s0 =	sand.u32 $0x1, s1  }
0x8c: {  	s17 =	sshll.u32 s0, $0xA;
	s2 =	sadd.s32 s3, s2  }
0x8d: {  	s2 =	sadd.s32 s2, s17  }
0x8e: {  	[smem:$0x3FC2] =	sst s2  }
0x8f: {  	_ = 	snop  }
0x90: {  	s2 =	sld [smem:$0x3FD0];
	(tm) =	ssettm $0x1  }
0x91: {  	s18 =	sld [smem:$0x3FFB];
	_ =	sdelay $0x3  }
0x92: {  	_ =	strace s18  }
0x93: {  	s3 =	sld [smem:$0x3FFC];
	_ =	sdelay $0x3  }
0x94: {  	_ =	strace s3  }
0x95: {  	s3 =	sld [smem:$0x3FFD];
	_ =	sdelay $0x3  }
0x96: {  	_ =	strace s3  }
0x97: {  	_ =	strace $0x8FFFFFFF  }
0x98: {  	s19 =	sld [smem:$0x3FDB];
	_ =	sdelay $0x1  }
0x99: {  	s4 =	simm.s32 $_scs_section_size  }
0x9a: {  	s5 =	simm.s32 $_size__tile_overlayer_lowered;
	s6 =	simm.s32 $_tile_overlayer_lowered  }
0x9b: {  	s22 =	simm.s32 $0x1BFF;
	s21 =	sshll.u32 s6, $0x1;
	s3 =	sadd.s32 s4, s19  }
0x9c: {  	s7 =	simm.s32 $0x0;
	s20 =	sshll.u32 s5, $0x1;
	s5 =	sadd.s32 s21, s3  }
0x9d: {  	[timem:s7], [sflag:s22] =	dma.local [hbm:s5], s20  }
0x9e: {  	_ =	swait.ge [sflag:s22], s20  }
0x9f: {  	s4 =	ssub.s32 $0x0, s20;
	[sflag:s22] =	ssyncset.done $0x0  }
0xa0: {  	[sflag:s22] =	ssyncadd.s32 s4;
	_ =	sdelay $0x1  }
0xa1: {  	s23 =	simm.s32 $0x1B8B  }
0xa2: {  	_ =	swait.ge [sflag:s23], $0x1  }
0xa3: {  	[sflag:s23] =	ssyncset.done $0x0  }
0xa4: {  	s25 =	simm.s32 $0x1B8E;
	s24 =	sld [smem:$0x3FFE];
	[sflag:s23] =	ssyncadd.s32 $0xFFFFFFFF  }
0xa5: {  	s26 =	simm.s32 $execute0_lowered;
	[smem:$0x3FD2] =	sst s25  }
0xa6: {  	s5 =	sshll.u32 s26, $0x1;
	_ =	strace $0x80000049;
	[dreg:$0x1] =	wrdreg $0xFFFFFFFF  }
0xa7: {  	s28 =	simm.s32 $_size_execute0_lowered;
	s3 =	sadd.s32 s3, s5;
	[dreg:$0x0] =	wrdreg $0x0  }
0xa8: {  	s5 =	sshll.u32 s28, $0x1;
	[dreg:$0x2] =	wrdreg s3  }
0xa9: {  	[dreg:$0x3] =	wrdreg s5  }
0xaa: {  	[dreg:$0x4] =	wrdreg $0xC0  }
0xab: {  	_ =	task [dreg:s7], $0x5FFFF  }
0xac: {  	[dreg:$0x1] =	wrdreg $0xFFFFFFFF  }
0xad: {  	[dreg:$0x0] =	wrdreg $0x60  }
0xae: {  	[dreg:$0x2] =	wrdreg s2  }
0xaf: {  	[dreg:$0x3] =	wrdreg s24  }
0xb0: {  	[dreg:$0x4] =	wrdreg $0xBD000  }
0xb1: {  	[dreg:$0x5] =	wrdreg $0x9  }
0xb2: {  	_ =	task.clear_ibuf [dreg:s7], $0x6FFFF;
	_ =	strace $0x90000049  }
0xb3: {  	s29 =	simm.s32 $0x9;
	_ =	strace $0x8000004B  }
0xb4: {  	_ =	swait.ge [sflag:s29], $0x1  }
0xb5: {  	[sflag:s29] =	ssyncadd.s32 $0xFFFFFFFF  }
0xb6: {  	_ =	strace $0x9000004B  }
0xb7: {  	_ =	sfence  }
0xb8: {  	s30 =	sld [smem:$0x0];
	_ =	sdelay $0x2  }
0xb9: {  	s31 =	sshll.u32 s1, $0xD;
	s1 =	sshrl.u32 s1, $0x2  }
0xba: {  	s3 =	sand.u32 $0x4000, s31;
	s1 =	sadd.s32 s1, s30  }
0xbb: {  	s0 =	sor.u32 s3, s0;
	s1 =	sshll.u32 s1, $0x11  }
0xbc: {  	s0 =	sor.u32 s1, s0  }
0xbd: {  	s0 =	sadd.s32 $0x8F2B, s0  }
0xbe: {  	[sflag:s0] =	ssyncadd.remote.s32 $0x1  }
0xbf: {  	_ =	sfence.sel $0xFFFF  }
0xc0: {  	[dreg:$0x0] =	wrdreg $0xFFFFFFFF;
	(pc) =	sbr.abs _section_cstart, $3  }
0xc1: {  	[dreg:$0x1] =	wrdreg $0xFFFFFFFF  }
0xc2: {  	_ =	task.clear_ibuf [dreg:s7], $0x2FFFF;
	_ =	strace $0x9FFFFFFF  }
0xc3: {  	(tm) =	ssettm $0x7FFFFFFF  }
tec
execute0_lowered:
.L_overlay_start_1:
0x0: {  	(tag) =	ssettag $0x1  }
0x1: {  	s1 =	rddreg [dreg:$0x0]  }
0x2: {  	s0 =	rddreg [dreg:$0x1]  }
0x3: {  	s2 =	rddreg [dreg:$0x2];
	s3 =	simm.s32 $0x0  }
0x4: {  	s4 =	srdreg.scid;
	s22 =	stileid.u32;
	s17 =	simm.s32 $0x100  }
0x5: {  	s18 =	simm.s32 $0x300;
	s19 =	simm.s32 $0xB8;
	s20 =	simm.s32 $0x500  }
0x6: {  	s21 =	simm.s32 $0x6100;
	s28 =	simm.s32 $0x40;
	s29 =	simm.s32 $0x0  }
0x7: {  	[smem:$0x7FF] =	sst s3;
	s13 =	sadd.s32 $0x2400, s0;
	s6 =	sand.u32 $0x1, s4  }
0x8: {  	s12 =	sadd.s32 $0xC200, s0;
	s9 =	smul.u32 $0x50000, s22;
	s23 =	sadd.s32 $0x16000, s0  }
0x9: {  	s26 =	smul.u32 $0x2710, s22;
	s30 =	sshll.u32 s22, $0x6;
	_ =	strace $0x8000004A  }
0xa: {  	s7 =	smul.u32 $0x28000, s6;
	s5 =	sshll.u32 s6, $0x4;
	[dreg:$0x4] =	wrdreg s23  }
0xb: {  	s10 =	ssub.s32 $0x2, s6;
	s11 =	smul.u32 $0x27100, s6;
	s6 =	sor.u32 $0x1C03, s30  }
0xc: {  	s23 =	simm.s32 $0x2;
	s8 =	sor.u32 s22, s5;
	s24 =	sshrl.u32 s10, $0x1  }
0xd: {  	s25 =	sshrl.u32 s9, $0x2;
	s8 =	smul.u32 $0x2710, s8;
	s0 =	sadd.s32 s7, s0  }
0xe: {  	s10 =	ssub.s32 s10, s24;
	s14 =	sadd.s32 s25, s2;
	s11 =	sadd.s32 s26, s11  }
0xf: {  	s24 =	smul.u32 $0x2800, s22;
	s22 =	simm.s32 $0x1;
	s25 =	simm.s32 $0x400  }
0x10: {  	s26 =	simm.s32 $0x480;
	s31 =	sadd.s32 $0xB8, s11;
	s0 =	sadd.s32 $0x18800, s0  }
0x11: {  	s9 =	smax.u32 s10, $0x1;
	s16 =	sshrl.u32 s11, $0x3;
	s14 =	sshrl.u32 s14, $0x3  }
0x12: {  	s8 =	sshrl.u32 s8, $0x3;
	s15 =	sshrl.u32 s31, $0x3;
	s24 =	sadd.s32 s24, s0  }
0x13: {  	s8 =	sadd.s32 $0x4DA, s8;
	s10 =	sadd.s32 s15, s12;
	s11 =	sadd.s32 s15, s13  }
0x14: {  	s15 =	simm.s32 $0x3;
	s7 =	sadd.s32 s13, s8;
	s8 =	sadd.s32 s12, s8  }
0x15: {  	s12 =	sadd.s32 s16, s12;
	s13 =	sadd.s32 s16, s13;
	s16 =	simm.s32 $0x200  }
.LBB2_1:
0x16: {  	s0 =	rddreg [dreg:$0x4]  }
0x17: {  	[spmem:s14], [sflag:s6] =	dma.local [hbm:s0], $0x2800  }
0x18: {  	_ =	swait.ge [sflag:s15], $0x2800  }
0x19: {  	[sflag:s15] =	ssyncset.done $0x0  }
0x1a: {  	[sflag:s15] =	ssyncadd.s32 $0xFFFFD800  }
0x1b: {  	s4 =	sadd.s32 $0x0, s13;
	[bflag:$0x0] =	sbarrier.arrive $0xFFFF  }
0x1c: {  	[tilespmem:s3], [sflag:$0x3] =	stream.linear.gather [hbm4b:s4+s3], $0xB8, $0x38;
	[tilespmem:$0x1FD00] =	vst v63  }
0x1d: {  	_ =	swait.ge [sflag:s15], $0xB8  }
0x1e: {  	[sflag:s15] =	ssyncset.done $0x0  }
0x1f: {  	s5 =	sadd.s32 $0x0, s12;
	[sflag:s15] =	ssyncadd.s32 $0xFFFFFF48  }
0x20: {  	[tilespmem:s16], [sflag:$0x3] =	stream.linear.gather [hbm4b:s5+s3], $0xB8, $0x38;
	[tilespmem:$0x1FD00] =	vst v63  }
0x21: {  	_ =	swait.ge [sflag:s15], $0xB8  }
0x22: {  	[sflag:s15] =	ssyncset.done $0x0  }
0x23: {  	s4 =	sadd.s32 $0x0, s11;
	[sflag:s15] =	ssyncadd.s32 $0xFFFFFF48  }
0x24: {  	[tilespmem:s17], [sflag:$0x3] =	stream.linear.gather [hbm4b:s4+s3], $0xB8, $0x38;
	[tilespmem:$0x1FD00] =	vst v63  }
0x25: {  	_ =	swait.ge [sflag:s15], $0xB8  }
0x26: {  	[sflag:s15] =	ssyncset.done $0x0  }
0x27: {  	s5 =	sadd.s32 $0x0, s10;
	[sflag:s15] =	ssyncadd.s32 $0xFFFFFF48  }
0x28: {  	[tilespmem:s18], [sflag:$0x3] =	stream.linear.gather [hbm4b:s5+s3], $0xB8, $0x38;
	[tilespmem:$0x1FD00] =	vst v63  }
0x29: {  	_ =	swait.ge [sflag:s15], $0xB8  }
0x2a: {  	[sflag:s15] =	ssyncset.done $0x0  }
0x2b: {  	[sflag:s15] =	ssyncadd.s32 $0xFFFFFF48  }
0x2c: {  	[tilespmem:s20], [sflag:$0x1] =	stream.indirect.gather [hbm4b:s1+s19], $0x80, s3, s19, $0xb8;
	[tilespmem:$0x1FD00] =	vst v63  }
0x2d: {  	_ = 	snop  }
0x2e: {  	[tilespmem:s21], [sflag:$0x2] =	stream.indirect.gather [hbm4b:s1+s19], $0x80, s17, s19, $0xb8;
	[tilespmem:$0x1FD00] =	vst v63  }
0x2f: {  	_ =	swait.ge [sflag:s22], $0x5C00  }
0x30: {  	[sflag:s22] =	ssyncset.done $0x0  }
0x31: {  	[sflag:s22] =	ssyncadd.s32 $0xFFFFA400  }
0x32: {  	[spmem:s2] =	stream.indirect.scatter.add.f32 [tilespmem:s20], [sflag:$0x3], $0x80, s16, s19, $0xb8;
	[tilespmem:$0x1FD00] =	vst v63  }
0x33: {  	_ =	swait.ge [sflag:s15], $0x5C00  }
0x34: {  	[sflag:s15] =	ssyncset.done $0x0  }
0x35: {  	[sflag:s15] =	ssyncadd.s32 $0xFFFFA400  }
0x36: {  	_ =	swait.ge [sflag:s23], $0x5C00  }
0x37: {  	[sflag:s23] =	ssyncset.done $0x0  }
0x38: {  	[sflag:s23] =	ssyncadd.s32 $0xFFFFA400  }
0x39: {  	[spmem:s2] =	stream.indirect.scatter.add.f32 [tilespmem:s21], [sflag:$0x3], $0x80, s18, s19, $0xb8;
	[tilespmem:$0x1FD00] =	vst v63  }
0x3a: {  	_ =	swait.ge [sflag:s15], $0x5C00  }
0x3b: {  	s30 =	simm.s32 $0x2E;
	s31 =	simm.s32 $0x5C;
	[sflag:s15] =	ssyncset.done $0x0  }
.LBB2_2:
0x3c: {  	s4 =	sadd.s32 s30, s13  }
0x3d: {  	[sflag:s15] =	ssyncadd.s32 $0xFFFFA400;
	s5 =	smov.u32 s31;
	s0 =	sadd.s32 $0x2E, s31  }
0x3e: {  	[tilespmem:s3], [sflag:$0x3] =	stream.linear.gather [hbm4b:s4+s3], $0xB8, $0x38;
	[tilespmem:$0x1FD00] =	vst v63  }
0x3f: {  	p0 =	sne.s32 s31, $0x4AC;
	_ =	swait.ge [sflag:s15], $0xB8  }
0x40: {  	[sflag:s15] =	ssyncset.done $0x0  }
0x41: {  	s4 =	sadd.s32 s30, s12;
	[sflag:s15] =	ssyncadd.s32 $0xFFFFFF48  }
0x42: {  	[tilespmem:s16], [sflag:$0x3] =	stream.linear.gather [hbm4b:s4+s3], $0xB8, $0x38;
	[tilespmem:$0x1FD00] =	vst v63  }
0x43: {  	_ =	swait.ge [sflag:s15], $0xB8  }
0x44: {  	[sflag:s15] =	ssyncset.done $0x0  }
0x45: {  	s4 =	sadd.s32 s30, s11;
	[sflag:s15] =	ssyncadd.s32 $0xFFFFFF48  }
0x46: {  	[tilespmem:s17], [sflag:$0x3] =	stream.linear.gather [hbm4b:s4+s3], $0xB8, $0x38;
	[tilespmem:$0x1FD00] =	vst v63  }
0x47: {  	_ =	swait.ge [sflag:s15], $0xB8  }
0x48: {  	[sflag:s15] =	ssyncset.done $0x0  }
0x49: {  	s4 =	sadd.s32 s30, s10;
	s30 =	smov.u32 s5;
	[sflag:s15] =	ssyncadd.s32 $0xFFFFFF48  }
0x4a: {  	[tilespmem:s18], [sflag:$0x3] =	stream.linear.gather [hbm4b:s4+s3], $0xB8, $0x38;
	[tilespmem:$0x1FD00] =	vst v63  }
0x4b: {  	_ =	swait.ge [sflag:s15], $0xB8  }
0x4c: {  	[sflag:s15] =	ssyncset.done $0x0  }
0x4d: {  	[sflag:s15] =	ssyncadd.s32 $0xFFFFFF48  }
0x4e: {  	[tilespmem:s20], [sflag:$0x1] =	stream.indirect.gather [hbm4b:s1+s19], $0x80, s3, s19, $0xb8;
	[tilespmem:$0x1FD00] =	vst v63  }
0x4f: {  	_ = 	snop  }
0x50: {  	[tilespmem:s21], [sflag:$0x2] =	stream.indirect.gather [hbm4b:s1+s19], $0x80, s17, s19, $0xb8;
	[tilespmem:$0x1FD00] =	vst v63  }
0x51: {  	_ =	swait.ge [sflag:s22], $0x5C00  }
0x52: {  	[sflag:s22] =	ssyncset.done $0x0  }
0x53: {  	[sflag:s22] =	ssyncadd.s32 $0xFFFFA400  }
0x54: {  	[spmem:s2] =	stream.indirect.scatter.add.f32 [tilespmem:s20], [sflag:$0x3], $0x80, s16, s19, $0xb8;
	[tilespmem:$0x1FD00] =	vst v63  }
0x55: {  	_ =	swait.ge [sflag:s15], $0x5C00  }
0x56: {  	[sflag:s15] =	ssyncset.done $0x0  }
0x57: {  	[sflag:s15] =	ssyncadd.s32 $0xFFFFA400  }
0x58: {  	_ =	swait.ge [sflag:s23], $0x5C00  }
.Ltmp0:
0x59: {  	[sflag:s23] =	ssyncset.done $0x0;
	(pc) =	sbr.rel @p0 .LBB2_2-.Ltmp0, $4  }
0x5a: {  	[sflag:s23] =	ssyncadd.s32 $0xFFFFA400  }
0x5b: {  	[spmem:s2] =	stream.indirect.scatter.add.f32 [tilespmem:s21], [sflag:$0x3], $0x80, s18, s19, $0xb8;
	[tilespmem:$0x1FD00] =	vst v63  }
0x5c: {  	_ =	swait.ge [sflag:s15], $0x5C00  }
0x5d: {  	s31 =	smov.u32 s0;
	[sflag:s15] =	ssyncset.done $0x0  }
0x5e: {  	s0 =	sadd.s32 s30, s13;
	[sflag:s15] =	ssyncadd.s32 $0xFFFFA400  }
0x5f: {  	[tilespmem:s3], [sflag:$0x3] =	stream.linear.gather [hbm4b:s0+s3], $0xB8, $0x38;
	[tilespmem:$0x1FD00] =	vst v63  }
0x60: {  	_ =	swait.ge [sflag:s15], $0xB8  }
0x61: {  	[sflag:s15] =	ssyncset.done $0x0  }
0x62: {  	s4 =	sadd.s32 s30, s12;
	[sflag:s15] =	ssyncadd.s32 $0xFFFFFF48  }
0x63: {  	[tilespmem:s16], [sflag:$0x3] =	stream.linear.gather [hbm4b:s4+s3], $0xB8, $0x38;
	[tilespmem:$0x1FD00] =	vst v63  }
0x64: {  	_ =	swait.ge [sflag:s15], $0xB8  }
0x65: {  	[sflag:s15] =	ssyncset.done $0x0  }
0x66: {  	s5 =	sadd.s32 s30, s11;
	[sflag:s15] =	ssyncadd.s32 $0xFFFFFF48  }
0x67: {  	[tilespmem:s17], [sflag:$0x3] =	stream.linear.gather [hbm4b:s5+s3], $0xB8, $0x38;
	[tilespmem:$0x1FD00] =	vst v63  }
0x68: {  	_ =	swait.ge [sflag:s15], $0xB8  }
0x69: {  	[sflag:s15] =	ssyncset.done $0x0  }
0x6a: {  	s31 =	sadd.s32 s30, s10;
	[sflag:s15] =	ssyncadd.s32 $0xFFFFFF48  }
0x6b: {  	[tilespmem:s18], [sflag:$0x3] =	stream.linear.gather [hbm4b:s31+s3], $0xB8, $0x38;
	[tilespmem:$0x1FD00] =	vst v63  }
0x6c: {  	_ =	swait.ge [sflag:s15], $0xB8  }
0x6d: {  	[sflag:s15] =	ssyncset.done $0x0  }
0x6e: {  	[sflag:s15] =	ssyncadd.s32 $0xFFFFFF48  }
0x6f: {  	[tilespmem:s20], [sflag:$0x1] =	stream.indirect.gather [hbm4b:s1+s19], $0x80, s3, s19, $0xb8;
	[tilespmem:$0x1FD00] =	vst v63  }
0x70: {  	_ = 	snop  }
0x71: {  	[tilespmem:s21], [sflag:$0x2] =	stream.indirect.gather [hbm4b:s1+s19], $0x80, s17, s19, $0xb8;
	[tilespmem:$0x1FD00] =	vst v63  }
0x72: {  	_ =	swait.ge [sflag:s22], $0x5C00  }
0x73: {  	[sflag:s22] =	ssyncset.done $0x0  }
0x74: {  	[sflag:s22] =	ssyncadd.s32 $0xFFFFA400  }
0x75: {  	[spmem:s2] =	stream.indirect.scatter.add.f32 [tilespmem:s20], [sflag:$0x3], $0x80, s16, s19, $0xb8;
	[tilespmem:$0x1FD00] =	vst v63  }
0x76: {  	_ =	swait.ge [sflag:s15], $0x5C00  }
0x77: {  	[sflag:s15] =	ssyncset.done $0x0  }
0x78: {  	[sflag:s15] =	ssyncadd.s32 $0xFFFFA400  }
0x79: {  	_ =	swait.ge [sflag:s23], $0x5C00  }
0x7a: {  	[sflag:s23] =	ssyncset.done $0x0  }
0x7b: {  	[sflag:s23] =	ssyncadd.s32 $0xFFFFA400  }
0x7c: {  	[spmem:s2] =	stream.indirect.scatter.add.f32 [tilespmem:s21], [sflag:$0x3], $0x80, s18, s19, $0xb8;
	[tilespmem:$0x1FD00] =	vst v63  }
0x7d: {  	_ =	swait.ge [sflag:s15], $0x5C00  }
0x7e: {  	[sflag:s15] =	ssyncset.done $0x0  }
0x7f: {  	[sflag:s15] =	ssyncadd.s32 $0xFFFFA400  }
0x80: {  	[tilespmem:s25], [sflag:$0x3] =	stream.linear.gather [hbm4b:s7+s3], $0x40, $0x38;
	[tilespmem:$0x1FD00] =	vst v63  }
0x81: {  	_ =	swait.ge [sflag:s15], $0x40  }
0x82: {  	[sflag:s15] =	ssyncset.done $0x0  }
0x83: {  	[sflag:s15] =	ssyncadd.s32 $0xFFFFFFC0  }
0x84: {  	[tilespmem:s26], [sflag:$0x3] =	stream.linear.gather [hbm4b:s8+s3], $0x40, $0x38;
	[tilespmem:$0x1FD00] =	vst v63  }
0x85: {  	_ =	swait.ge [sflag:s15], $0x40  }
0x86: {  	[sflag:s15] =	ssyncset.done $0x0  }
0x87: {  	[sflag:s15] =	ssyncadd.s32 $0xFFFFFFC0  }
0x88: {  	[tilespmem:s20], [sflag:$0x1] =	stream.indirect.gather [hbm4b:s1+s28], $0x80, s25, s28, $0xb8;
	[tilespmem:$0x1FD00] =	vst v63  }
0x89: {  	_ =	swait.ge [sflag:s22], $0x2000  }
0x8a: {  	[sflag:s22] =	ssyncset.done $0x0  }
0x8b: {  	[sflag:s22] =	ssyncadd.s32 $0xFFFFE000  }
0x8c: {  	[spmem:s2] =	stream.indirect.scatter.add.f32 [tilespmem:s20], [sflag:$0x3], $0x80, s26, s28, $0xb8;
	[tilespmem:$0x1FD00] =	vst v63  }
0x8d: {  	_ =	swait.ge [sflag:s15], $0x2000  }
0x8e: {  	s29 =	sadd.s32 $0x1, s29;
	[sflag:s15] =	ssyncset.done $0x0  }
0x8f: {  	p0 =	sne.s32 s29, s9;
	[sflag:s15] =	ssyncadd.s32 $0xFFFFE000  }
.Ltmp1:
0x90: {  	[bflag:$0x0] =	sbarrier.arrive $0xFFFF;
	(pc) =	sbr.rel @p0 .LBB2_1-.Ltmp1, $4  }
0x91: {  	[hbm:s24], [sflag:s6] =	dma.local [spmem:s14], $0x2800  }
0x92: {  	_ =	swait.ge [sflag:s15], $0x2800  }
0x93: {  	[sflag:s15] =	ssyncset.done $0x0  }
0x94: {  	[sflag:s15] =	ssyncadd.s32 $0xFFFFD800  }
0x95: {  	_ =	sfence.sel $0x180000  }
0x96: {  	[bflag:$0x0] =	sbarrier.arrive $0xFFFF  }
0x97: {  	_ =	strace $0x9000004A  }
0x98: {  	s0 =	stileid.u32;
	[bflag:$0x2] =	sbarrier.arrive $0xFFFF  }
0x99: {  	p0 =	sne.s32 s0, $0x0;
	s0 =	rddreg [dreg:$0x3]  }
0x9a: {  	s0 =	sadd.s32 @!p0 $0x100000, s0  }
0x9b: {  	[sflag:s0] =	ssyncadd.tile.s32 @!p0 $0x1;
	_ =	shalt  }
.Lfunc_end2:
_tile_overlayer_lowered:
.L_overlay_start_2:
0x9c: {  	(tag) =	ssettag $0x2  }
0x9d: {  	s0 =	rddreg [dreg:$0x0];
	s2 =	stileid.u32  }
0x9e: {  	s1 =	rddreg [dreg:$0x1];
	p0 =	sne.s32 s2, $0x0  }
0x9f: {  	s3 =	rddreg [dreg:$0x2];
	[bflag:$0x3] =	sbarrier.arrive $0xFFFF;
	s2 =	simm.s32 @!p0 $0x1C03  }
0xa0: {  	[timem:s3], [sflag:s2] =	dma.local @!p0 [hbm:s0], s1  }
0xa1: {  	s0 =	simm.s32 @!p0 $0x3  }
0xa2: {  	_ =	swait.ge @!p0 [sflag:s0], s1  }
0xa3: {  	s1 =	ssub.s32 @!p0 $0x0, s1;
	[sflag:s0] =	ssyncset.done @!p0 $0x0  }
0xa4: {  	[sflag:s0] =	ssyncadd.s32 @!p0 s1  }
0xa5: {  	[bflag:$0x3] =	sbarrier.arrive $0xFFFF  }
0xa6: {  	_ =	shalt  }

// kernel: kernel.14.cloned.1.call-start
scs
__scs_entry_jumppad:
0x0: {  	(pc) =	sbr.rel $0x88, $3  }
0x1: {  	(tag) =	ssettag $0x0;
	lr =	simm.s32 $0x1  }
0x2: {  	[smem:$0x3F9B] =	sst lr;
	_ =	strace $0xD0000000  }
0x3: {  	_ = 	snop  }
0x4: {  	_ = 	snop  }
0x5: {  	_ = 	snop  }
0x6: {  	_ = 	snop  }
0x7: {  	_ = 	snop  }
__scs_overlays_trampoline_lowered:
0x8: {  	[smem:$0x3FAA] =	sst s0  }
0x9: {  	[smem:$0x3FAB] =	sst s1  }
0xa: {  	[smem:$0x3FAC] =	sst s2  }
0xb: {  	[smem:$0x3FAD] =	sst s3  }
0xc: {  	[smem:$0x3FAE] =	sst s4  }
0xd: {  	[smem:$0x3FAF] =	sst s5  }
0xe: {  	[smem:$0x3FB0] =	sst s6  }
0xf: {  	[smem:$0x3FB1] =	sst s7  }
0x10: {  	[smem:$0x3FB2] =	sst s8  }
0x11: {  	[smem:$0x3FB3] =	sst s9;
	s0 =	simm.s32 @!p0 $0x0  }
0x12: {  	s1 =	sld [smem:$0x3F99];
	s0 =	simm.s32 @p0 $0x1  }
0x13: {  	[smem:$0x3FB4] =	sst s0;
	s0 =	simm.s32 @!p1 $0x0  }
0x14: {  	s2 =	sld [smem:$0x3F98];
	s0 =	simm.s32 @p1 $0x1  }
0x15: {  	[smem:$0x3FB5] =	sst s0;
	s0 =	simm.s32 @!p2 $0x0  }
0x16: {  	s3 =	sld [smem:$0x3FDB];
	s0 =	simm.s32 @p2 $0x1  }
0x17: {  	s4 =	simm.s32 $0x1BF5;
	[smem:$0x3FB7] =	sst s0  }
0x18: {  	s0 =	sld [smem:$0x3F9A];
	_ =	swait.ge [sflag:s4], $0x0  }
0x19: {  	s7 =	sld [smem:$0x3F9B]  }
0x1a: {  	s8 =	sadd.s32 $0xFFFFE003, lr  }
0x1b: {  	s9 =	sadd.s32 $0xFFFFFEF7, lr;
	s5 =	simm.s32 $0xFFFFFFFF;
	p2 =	slt.u32 s8, $0xFFFFF086  }
0x1c: {  	p1 =	slt.u32 s9, $0xF7A;
	s5 =	simm.s32 @!p2 $0x0  }
0x1d: {  	s5 =	simm.s32 @p1 $0x1;
	p0 =	seq.s32 s7, s2  }
0x1e: {  	s7 =	smul.u32 @!p0 $0xF7A, s2;
	p2 =	seq.s32 @!p0 s5, $0x0  }
0x1f: {  	s9 =	smul.u32 $0xF7A, s1;
	s8 =	simm.s32 @!p0 $0x1BF5;
	p2 =	por !p2, p0  }
0x20: {  	[sflag:s8] =	ssyncset.s32 @!p0 $0xFFFFF086;
	s6 =	sadd.s32 @!p0 s3, s7;
	s7 =	simm.s32 @!p0 $0x108  }
0x21: {  	s3 =	sadd.s32 s3, s9;
	s6 =	sadd.s32 @!p0 $0x88, s6;
	s7 =	simm.s32 @p2 $0x1082  }
0x22: {  	[simem:s7], [sflag:s8] =	dma.local @!p0 [hbm:s6], $0xF7A  }
0x23: {  	s9 =	sor.u32 $0xD0000000, s2;
	s6 =	simm.s32 $0x108;
	_ =	swait.ge @!p0 [sflag:s8], $0x0  }
0x24: {  	s3 =	sadd.s32 $0x88, s3;
	s6 =	simm.s32 @!p1 $0x1082;
	[sflag:s4] =	ssyncset.s32 $0xFFFFF086  }
0x25: {  	[simem:s6], [sflag:s4] =	dma.local [hbm:s3], $0xF7A  }
0x26: {  	[smem:$0x3F9B] =	sst s1;
	(tag) =	ssettag s2;
	_ =	strace s9  }
0x27: {  	s1 =	sld [smem:$0x3FAB]  }
0x28: {  	s2 =	sld [smem:$0x3FAC]  }
0x29: {  	s4 =	sld [smem:$0x3FAE]  }
0x2a: {  	p0 =	seq.s32 s5, $0x0;
	s5 =	sld [smem:$0x3FAF]  }
0x2b: {  	s6 =	sld [smem:$0x3FB0]  }
0x2c: {  	s7 =	sld [smem:$0x3FB1]  }
0x2d: {  	s3 =	simm.s32 $0x108;
	s8 =	sld [smem:$0x3FB2]  }
0x2e: {  	s3 =	simm.s32 @!p0 $0x1082;
	s9 =	sld [smem:$0x3FB3]  }
0x2f: {  	lr =	sadd.s32 s0, s3;
	s0 =	sld [smem:$0x3FAA]  }
0x30: {  	s3 =	sld [smem:$0x3FAD]  }
0x31: {  	[smem:$0x3FB6] =	sst s10  }
0x32: {  	s10 =	sld [smem:$0x3FB4];
	_ =	sdelay $0x3  }
0x33: {  	p0 =	seq.s32 s10, $0x1;
	s10 =	sld [smem:$0x3FB6];
	_ =	sdelay $0x3  }
0x34: {  	[smem:$0x3FB6] =	sst s10  }
0x35: {  	s10 =	sld [smem:$0x3FB5];
	_ =	sdelay $0x3  }
0x36: {  	p1 =	seq.s32 s10, $0x1;
	s10 =	sld [smem:$0x3FB6];
	_ =	sdelay $0x3  }
0x37: {  	[smem:$0x3FB6] =	sst s10  }
0x38: {  	s10 =	sld [smem:$0x3FB7]  }
0x39: {  	_ = 	snop;
	(pc) =	sbr.ind lr, $3  }
0x3a: {  	_ = 	snop  }
0x3b: {  	_ = 	snop  }
0x3c: {  	p2 =	seq.s32 s10, $0x1;
	s10 =	sld [smem:$0x3FB6]  }
0x3d: {  	_ =	shalt  }
0x3e: {  	_ =	shalt  }
0x3f: {  	_ =	shalt  }
0x40: {  	_ =	shalt  }
0x41: {  	_ =	shalt  }
0x42: {  	_ =	shalt  }
0x43: {  	_ =	shalt  }
0x44: {  	_ =	shalt  }
0x45: {  	_ =	shalt  }
0x46: {  	_ =	shalt  }
0x47: {  	_ =	shalt  }
0x48: {  	_ =	shalt  }
0x49: {  	_ =	shalt  }
0x4a: {  	_ =	shalt  }
0x4b: {  	_ =	shalt  }
0x4c: {  	_ =	shalt  }
0x4d: {  	_ =	shalt  }
0x4e: {  	_ =	shalt  }
0x4f: {  	_ =	shalt  }
0x50: {  	_ =	shalt  }
0x51: {  	_ =	shalt  }
0x52: {  	_ =	shalt  }
0x53: {  	_ =	shalt  }
0x54: {  	_ =	shalt  }
0x55: {  	_ =	shalt  }
0x56: {  	_ =	shalt  }
0x57: {  	_ =	shalt  }
0x58: {  	_ =	shalt  }
0x59: {  	_ =	shalt  }
0x5a: {  	_ =	shalt  }
0x5b: {  	_ =	shalt  }
0x5c: {  	_ =	shalt  }
0x5d: {  	_ =	shalt  }
0x5e: {  	_ =	shalt  }
0x5f: {  	_ =	shalt  }
0x60: {  	_ =	shalt  }
0x61: {  	_ =	shalt  }
0x62: {  	_ =	shalt  }
0x63: {  	_ =	shalt  }
0x64: {  	_ =	shalt  }
0x65: {  	_ =	shalt  }
0x66: {  	_ =	shalt  }
0x67: {  	_ =	shalt  }
0x68: {  	_ =	shalt  }
0x69: {  	_ =	shalt  }
0x6a: {  	_ =	shalt  }
0x6b: {  	_ =	shalt  }
0x6c: {  	_ =	shalt  }
0x6d: {  	_ =	shalt  }
0x6e: {  	_ =	shalt  }
0x6f: {  	_ =	shalt  }
0x70: {  	_ =	shalt  }
0x71: {  	_ =	shalt  }
0x72: {  	_ =	shalt  }
0x73: {  	_ =	shalt  }
0x74: {  	_ =	shalt  }
0x75: {  	_ =	shalt  }
0x76: {  	_ =	shalt  }
0x77: {  	_ =	shalt  }
0x78: {  	_ =	shalt  }
0x79: {  	_ =	shalt  }
0x7a: {  	_ =	shalt  }
0x7b: {  	_ =	shalt  }
0x7c: {  	_ =	shalt  }
0x7d: {  	_ =	shalt  }
0x7e: {  	_ =	shalt  }
0x7f: {  	_ =	shalt  }
0x80: {  	_ =	shalt  }
0x81: {  	_ =	shalt  }
0x82: {  	_ =	shalt  }
0x83: {  	_ =	shalt  }
0x84: {  	_ =	shalt  }
0x85: {  	_ =	shalt  }
0x86: {  	_ =	shalt  }
0x87: {  	_ =	shalt  }
.Lfunc_end0:
.L_simem_size_0:
called_computation.2_lowered:
.L_overlay_start_0:
0x88: {  	s2 =	sld [smem:$0x3FD9]  }
0x89: {  	s3 =	sld [smem:$0x3FFE];
	_ =	sdelay $0x1  }
0x8a: {  	s1 =	srdreg.scid  }
0x8b: {  	s0 =	sand.u32 $0x1, s1  }
0x8c: {  	s17 =	sshll.u32 s0, $0xA;
	s2 =	sadd.s32 s3, s2  }
0x8d: {  	s2 =	sadd.s32 s2, s17  }
0x8e: {  	[smem:$0x3FC2] =	sst s2  }
0x8f: {  	_ = 	snop  }
0x90: {  	s2 =	sld [smem:$0x3FD0];
	(tm) =	ssettm $0x1  }
0x91: {  	s18 =	sld [smem:$0x3FFB];
	_ =	sdelay $0x3  }
0x92: {  	_ =	strace s18  }
0x93: {  	s3 =	sld [smem:$0x3FFC];
	_ =	sdelay $0x3  }
0x94: {  	_ =	strace s3  }
0x95: {  	s3 =	sld [smem:$0x3FFD];
	_ =	sdelay $0x3  }
0x96: {  	_ =	strace s3  }
0x97: {  	_ =	strace $0x8FFFFFFF  }
0x98: {  	s19 =	sld [smem:$0x3FDB];
	_ =	sdelay $0x1  }
0x99: {  	s4 =	simm.s32 $_scs_section_size  }
0x9a: {  	s5 =	simm.s32 $_size__tile_overlayer_lowered;
	s6 =	simm.s32 $_tile_overlayer_lowered  }
0x9b: {  	s22 =	simm.s32 $0x1BFF;
	s21 =	sshll.u32 s6, $0x1;
	s3 =	sadd.s32 s4, s19  }
0x9c: {  	s7 =	simm.s32 $0x0;
	s20 =	sshll.u32 s5, $0x1;
	s5 =	sadd.s32 s21, s3  }
0x9d: {  	[timem:s7], [sflag:s22] =	dma.local [hbm:s5], s20  }
0x9e: {  	_ =	swait.ge [sflag:s22], s20  }
0x9f: {  	s4 =	ssub.s32 $0x0, s20;
	[sflag:s22] =	ssyncset.done $0x0  }
0xa0: {  	[sflag:s22] =	ssyncadd.s32 s4;
	_ =	sdelay $0x1  }
0xa1: {  	s23 =	simm.s32 $0x1B8B  }
0xa2: {  	_ =	swait.ge [sflag:s23], $0x1  }
0xa3: {  	[sflag:s23] =	ssyncset.done $0x0  }
0xa4: {  	s25 =	simm.s32 $0x1B8E;
	s24 =	sld [smem:$0x3FFE];
	[sflag:s23] =	ssyncadd.s32 $0xFFFFFFFF  }
0xa5: {  	s26 =	simm.s32 $execute0_lowered;
	[smem:$0x3FD2] =	sst s25  }
0xa6: {  	s5 =	sshll.u32 s26, $0x1;
	_ =	strace $0x8000004C;
	[dreg:$0x1] =	wrdreg $0xFFFFFFFF  }
0xa7: {  	s28 =	simm.s32 $_size_execute0_lowered;
	s3 =	sadd.s32 s3, s5;
	[dreg:$0x0] =	wrdreg $0x0  }
0xa8: {  	s5 =	sshll.u32 s28, $0x1;
	[dreg:$0x2] =	wrdreg s3  }
0xa9: {  	[dreg:$0x3] =	wrdreg s5  }
0xaa: {  	[dreg:$0x4] =	wrdreg $0xC0  }
0xab: {  	_ =	task [dreg:s7], $0x5FFFF  }
0xac: {  	[dreg:$0x1] =	wrdreg $0xFFFFFFFF  }
0xad: {  	[dreg:$0x0] =	wrdreg $0x60  }
0xae: {  	[dreg:$0x2] =	wrdreg s2  }
0xaf: {  	[dreg:$0x3] =	wrdreg s24  }
0xb0: {  	[dreg:$0x4] =	wrdreg $0xBD000  }
0xb1: {  	[dreg:$0x5] =	wrdreg $0x9  }
0xb2: {  	_ =	task.clear_ibuf [dreg:s7], $0x6FFFF;
	_ =	strace $0x9000004C  }
0xb3: {  	s29 =	simm.s32 $0x9;
	_ =	strace $0x8000004E  }
0xb4: {  	_ =	swait.ge [sflag:s29], $0x1  }
0xb5: {  	[sflag:s29] =	ssyncadd.s32 $0xFFFFFFFF  }
0xb6: {  	_ =	strace $0x9000004E  }
0xb7: {  	_ =	sfence  }
0xb8: {  	s30 =	sld [smem:$0x0];
	_ =	sdelay $0x2  }
0xb9: {  	s31 =	sshll.u32 s1, $0xD;
	s1 =	sshrl.u32 s1, $0x2  }
0xba: {  	s3 =	sand.u32 $0x4000, s31;
	s1 =	sadd.s32 s1, s30  }
0xbb: {  	s0 =	sor.u32 s3, s0;
	s1 =	sshll.u32 s1, $0x11  }
0xbc: {  	s0 =	sor.u32 s1, s0  }
0xbd: {  	s0 =	sadd.s32 $0x8F2B, s0  }
0xbe: {  	[sflag:s0] =	ssyncadd.remote.s32 $0x1  }
0xbf: {  	_ =	sfence.sel $0xFFFF  }
0xc0: {  	[dreg:$0x0] =	wrdreg $0xFFFFFFFF;
	(pc) =	sbr.abs _section_cstart, $3  }
0xc1: {  	[dreg:$0x1] =	wrdreg $0xFFFFFFFF  }
0xc2: {  	_ =	task.clear_ibuf [dreg:s7], $0x2FFFF;
	_ =	strace $0x9FFFFFFF  }
0xc3: {  	(tm) =	ssettm $0x7FFFFFFF  }
tec
execute0_lowered:
.L_overlay_start_1:
0x0: {  	(tag) =	ssettag $0x1  }
0x1: {  	s1 =	rddreg [dreg:$0x0]  }
0x2: {  	s0 =	rddreg [dreg:$0x1]  }
0x3: {  	s2 =	rddreg [dreg:$0x2];
	s3 =	simm.s32 $0x0  }
0x4: {  	s4 =	srdreg.scid;
	s22 =	stileid.u32;
	s17 =	simm.s32 $0x100  }
0x5: {  	s18 =	simm.s32 $0x300;
	s19 =	simm.s32 $0xB8;
	s20 =	simm.s32 $0x500  }
0x6: {  	s21 =	simm.s32 $0x6100;
	s28 =	simm.s32 $0x40;
	s29 =	simm.s32 $0x0  }
0x7: {  	[smem:$0x7FF] =	sst s3;
	s13 =	sadd.s32 $0x2400, s0;
	s6 =	sand.u32 $0x1, s4  }
0x8: {  	s12 =	sadd.s32 $0xC200, s0;
	s9 =	smul.u32 $0x50000, s22;
	s23 =	sadd.s32 $0x16000, s0  }
0x9: {  	s26 =	smul.u32 $0x2710, s22;
	s30 =	sshll.u32 s22, $0x6;
	_ =	strace $0x8000004D  }
0xa: {  	s7 =	smul.u32 $0x28000, s6;
	s5 =	sshll.u32 s6, $0x4;
	[dreg:$0x4] =	wrdreg s23  }
0xb: {  	s10 =	ssub.s32 $0x2, s6;
	s11 =	smul.u32 $0x27100, s6;
	s6 =	sor.u32 $0x1C03, s30  }
0xc: {  	s23 =	simm.s32 $0x2;
	s8 =	sor.u32 s22, s5;
	s24 =	sshrl.u32 s10, $0x1  }
0xd: {  	s25 =	sshrl.u32 s9, $0x2;
	s8 =	smul.u32 $0x2710, s8;
	s0 =	sadd.s32 s7, s0  }
0xe: {  	s10 =	ssub.s32 s10, s24;
	s14 =	sadd.s32 s25, s2;
	s11 =	sadd.s32 s26, s11  }
0xf: {  	s24 =	smul.u32 $0x2800, s22;
	s22 =	simm.s32 $0x1;
	s25 =	simm.s32 $0x400  }
0x10: {  	s26 =	simm.s32 $0x480;
	s31 =	sadd.s32 $0xB8, s11;
	s0 =	sadd.s32 $0x18800, s0  }
0x11: {  	s9 =	smax.u32 s10, $0x1;
	s16 =	sshrl.u32 s11, $0x3;
	s14 =	sshrl.u32 s14, $0x3  }
0x12: {  	s8 =	sshrl.u32 s8, $0x3;
	s15 =	sshrl.u32 s31, $0x3;
	s24 =	sadd.s32 s24, s0  }
0x13: {  	s8 =	sadd.s32 $0x4DA, s8;
	s10 =	sadd.s32 s15, s12;
	s11 =	sadd.s32 s15, s13  }
0x14: {  	s15 =	simm.s32 $0x3;
	s7 =	sadd.s32 s13, s8;
	s8 =	sadd.s32 s12, s8  }
0x15: {  	s12 =	sadd.s32 s16, s12;
	s13 =	sadd.s32 s16, s13;
	s16 =	simm.s32 $0x200  }
.LBB2_1:
0x16: {  	s0 =	rddreg [dreg:$0x4]  }
0x17: {  	[spmem:s14], [sflag:s6] =	dma.local [hbm:s0], $0x2800  }
0x18: {  	_ =	swait.ge [sflag:s15], $0x2800  }
0x19: {  	[sflag:s15] =	ssyncset.done $0x0  }
0x1a: {  	[sflag:s15] =	ssyncadd.s32 $0xFFFFD800  }
0x1b: {  	s4 =	sadd.s32 $0x0, s13;
	[bflag:$0x0] =	sbarrier.arrive $0xFFFF  }
0x1c: {  	[tilespmem:s3], [sflag:$0x3] =	stream.linear.gather [hbm4b:s4+s3], $0xB8, $0x38;
	[tilespmem:$0x1FD00] =	vst v63  }
0x1d: {  	_ =	swait.ge [sflag:s15], $0xB8  }
0x1e: {  	[sflag:s15] =	ssyncset.done $0x0  }
0x1f: {  	s5 =	sadd.s32 $0x0, s12;
	[sflag:s15] =	ssyncadd.s32 $0xFFFFFF48  }
0x20: {  	[tilespmem:s16], [sflag:$0x3] =	stream.linear.gather [hbm4b:s5+s3], $0xB8, $0x38;
	[tilespmem:$0x1FD00] =	vst v63  }
0x21: {  	_ =	swait.ge [sflag:s15], $0xB8  }
0x22: {  	[sflag:s15] =	ssyncset.done $0x0  }
0x23: {  	s4 =	sadd.s32 $0x0, s11;
	[sflag:s15] =	ssyncadd.s32 $0xFFFFFF48  }
0x24: {  	[tilespmem:s17], [sflag:$0x3] =	stream.linear.gather [hbm4b:s4+s3], $0xB8, $0x38;
	[tilespmem:$0x1FD00] =	vst v63  }
0x25: {  	_ =	swait.ge [sflag:s15], $0xB8  }
0x26: {  	[sflag:s15] =	ssyncset.done $0x0  }
0x27: {  	s5 =	sadd.s32 $0x0, s10;
	[sflag:s15] =	ssyncadd.s32 $0xFFFFFF48  }
0x28: {  	[tilespmem:s18], [sflag:$0x3] =	stream.linear.gather [hbm4b:s5+s3], $0xB8, $0x38;
	[tilespmem:$0x1FD00] =	vst v63  }
0x29: {  	_ =	swait.ge [sflag:s15], $0xB8  }
0x2a: {  	[sflag:s15] =	ssyncset.done $0x0  }
0x2b: {  	[sflag:s15] =	ssyncadd.s32 $0xFFFFFF48  }
0x2c: {  	[tilespmem:s20], [sflag:$0x1] =	stream.indirect.gather [hbm4b:s1+s19], $0x80, s3, s19, $0xb8;
	[tilespmem:$0x1FD00] =	vst v63  }
0x2d: {  	_ = 	snop  }
0x2e: {  	[tilespmem:s21], [sflag:$0x2] =	stream.indirect.gather [hbm4b:s1+s19], $0x80, s17, s19, $0xb8;
	[tilespmem:$0x1FD00] =	vst v63  }
0x2f: {  	_ =	swait.ge [sflag:s22], $0x5C00  }
0x30: {  	[sflag:s22] =	ssyncset.done $0x0  }
0x31: {  	[sflag:s22] =	ssyncadd.s32 $0xFFFFA400  }
0x32: {  	[spmem:s2] =	stream.indirect.scatter.add.f32 [tilespmem:s20], [sflag:$0x3], $0x80, s16, s19, $0xb8;
	[tilespmem:$0x1FD00] =	vst v63  }
0x33: {  	_ =	swait.ge [sflag:s15], $0x5C00  }
0x34: {  	[sflag:s15] =	ssyncset.done $0x0  }
0x35: {  	[sflag:s15] =	ssyncadd.s32 $0xFFFFA400  }
0x36: {  	_ =	swait.ge [sflag:s23], $0x5C00  }
0x37: {  	[sflag:s23] =	ssyncset.done $0x0  }
0x38: {  	[sflag:s23] =	ssyncadd.s32 $0xFFFFA400  }
0x39: {  	[spmem:s2] =	stream.indirect.scatter.add.f32 [tilespmem:s21], [sflag:$0x3], $0x80, s18, s19, $0xb8;
	[tilespmem:$0x1FD00] =	vst v63  }
0x3a: {  	_ =	swait.ge [sflag:s15], $0x5C00  }
0x3b: {  	s30 =	simm.s32 $0x2E;
	s31 =	simm.s32 $0x5C;
	[sflag:s15] =	ssyncset.done $0x0  }
.LBB2_2:
0x3c: {  	s4 =	sadd.s32 s30, s13  }
0x3d: {  	[sflag:s15] =	ssyncadd.s32 $0xFFFFA400;
	s5 =	smov.u32 s31;
	s0 =	sadd.s32 $0x2E, s31  }
0x3e: {  	[tilespmem:s3], [sflag:$0x3] =	stream.linear.gather [hbm4b:s4+s3], $0xB8, $0x38;
	[tilespmem:$0x1FD00] =	vst v63  }
0x3f: {  	p0 =	sne.s32 s31, $0x4AC;
	_ =	swait.ge [sflag:s15], $0xB8  }
0x40: {  	[sflag:s15] =	ssyncset.done $0x0  }
0x41: {  	s4 =	sadd.s32 s30, s12;
	[sflag:s15] =	ssyncadd.s32 $0xFFFFFF48  }
0x42: {  	[tilespmem:s16], [sflag:$0x3] =	stream.linear.gather [hbm4b:s4+s3], $0xB8, $0x38;
	[tilespmem:$0x1FD00] =	vst v63  }
0x43: {  	_ =	swait.ge [sflag:s15], $0xB8  }
0x44: {  	[sflag:s15] =	ssyncset.done $0x0  }
0x45: {  	s4 =	sadd.s32 s30, s11;
	[sflag:s15] =	ssyncadd.s32 $0xFFFFFF48  }
0x46: {  	[tilespmem:s17], [sflag:$0x3] =	stream.linear.gather [hbm4b:s4+s3], $0xB8, $0x38;
	[tilespmem:$0x1FD00] =	vst v63  }
0x47: {  	_ =	swait.ge [sflag:s15], $0xB8  }
0x48: {  	[sflag:s15] =	ssyncset.done $0x0  }
0x49: {  	s4 =	sadd.s32 s30, s10;
	s30 =	smov.u32 s5;
	[sflag:s15] =	ssyncadd.s32 $0xFFFFFF48  }
0x4a: {  	[tilespmem:s18], [sflag:$0x3] =	stream.linear.gather [hbm4b:s4+s3], $0xB8, $0x38;
	[tilespmem:$0x1FD00] =	vst v63  }
0x4b: {  	_ =	swait.ge [sflag:s15], $0xB8  }
0x4c: {  	[sflag:s15] =	ssyncset.done $0x0  }
0x4d: {  	[sflag:s15] =	ssyncadd.s32 $0xFFFFFF48  }
0x4e: {  	[tilespmem:s20], [sflag:$0x1] =	stream.indirect.gather [hbm4b:s1+s19], $0x80, s3, s19, $0xb8;
	[tilespmem:$0x1FD00] =	vst v63  }
0x4f: {  	_ = 	snop  }
0x50: {  	[tilespmem:s21], [sflag:$0x2] =	stream.indirect.gather [hbm4b:s1+s19], $0x80, s17, s19, $0xb8;
	[tilespmem:$0x1FD00] =	vst v63  }
0x51: {  	_ =	swait.ge [sflag:s22], $0x5C00  }
0x52: {  	[sflag:s22] =	ssyncset.done $0x0  }
0x53: {  	[sflag:s22] =	ssyncadd.s32 $0xFFFFA400  }
0x54: {  	[spmem:s2] =	stream.indirect.scatter.add.f32 [tilespmem:s20], [sflag:$0x3], $0x80, s16, s19, $0xb8;
	[tilespmem:$0x1FD00] =	vst v63  }
0x55: {  	_ =	swait.ge [sflag:s15], $0x5C00  }
0x56: {  	[sflag:s15] =	ssyncset.done $0x0  }
0x57: {  	[sflag:s15] =	ssyncadd.s32 $0xFFFFA400  }
0x58: {  	_ =	swait.ge [sflag:s23], $0x5C00  }
.Ltmp0:
0x59: {  	[sflag:s23] =	ssyncset.done $0x0;
	(pc) =	sbr.rel @p0 .LBB2_2-.Ltmp0, $4  }
0x5a: {  	[sflag:s23] =	ssyncadd.s32 $0xFFFFA400  }
0x5b: {  	[spmem:s2] =	stream.indirect.scatter.add.f32 [tilespmem:s21], [sflag:$0x3], $0x80, s18, s19, $0xb8;
	[tilespmem:$0x1FD00] =	vst v63  }
0x5c: {  	_ =	swait.ge [sflag:s15], $0x5C00  }
0x5d: {  	s31 =	smov.u32 s0;
	[sflag:s15] =	ssyncset.done $0x0  }
0x5e: {  	s0 =	sadd.s32 s30, s13;
	[sflag:s15] =	ssyncadd.s32 $0xFFFFA400  }
0x5f: {  	[tilespmem:s3], [sflag:$0x3] =	stream.linear.gather [hbm4b:s0+s3], $0xB8, $0x38;
	[tilespmem:$0x1FD00] =	vst v63  }
0x60: {  	_ =	swait.ge [sflag:s15], $0xB8  }
0x61: {  	[sflag:s15] =	ssyncset.done $0x0  }
0x62: {  	s4 =	sadd.s32 s30, s12;
	[sflag:s15] =	ssyncadd.s32 $0xFFFFFF48  }
0x63: {  	[tilespmem:s16], [sflag:$0x3] =	stream.linear.gather [hbm4b:s4+s3], $0xB8, $0x38;
	[tilespmem:$0x1FD00] =	vst v63  }
0x64: {  	_ =	swait.ge [sflag:s15], $0xB8  }
0x65: {  	[sflag:s15] =	ssyncset.done $0x0  }
0x66: {  	s5 =	sadd.s32 s30, s11;
	[sflag:s15] =	ssyncadd.s32 $0xFFFFFF48  }
0x67: {  	[tilespmem:s17], [sflag:$0x3] =	stream.linear.gather [hbm4b:s5+s3], $0xB8, $0x38;
	[tilespmem:$0x1FD00] =	vst v63  }
0x68: {  	_ =	swait.ge [sflag:s15], $0xB8  }
0x69: {  	[sflag:s15] =	ssyncset.done $0x0  }
0x6a: {  	s31 =	sadd.s32 s30, s10;
	[sflag:s15] =	ssyncadd.s32 $0xFFFFFF48  }
0x6b: {  	[tilespmem:s18], [sflag:$0x3] =	stream.linear.gather [hbm4b:s31+s3], $0xB8, $0x38;
	[tilespmem:$0x1FD00] =	vst v63  }
0x6c: {  	_ =	swait.ge [sflag:s15], $0xB8  }
0x6d: {  	[sflag:s15] =	ssyncset.done $0x0  }
0x6e: {  	[sflag:s15] =	ssyncadd.s32 $0xFFFFFF48  }
0x6f: {  	[tilespmem:s20], [sflag:$0x1] =	stream.indirect.gather [hbm4b:s1+s19], $0x80, s3, s19, $0xb8;
	[tilespmem:$0x1FD00] =	vst v63  }
0x70: {  	_ = 	snop  }
0x71: {  	[tilespmem:s21], [sflag:$0x2] =	stream.indirect.gather [hbm4b:s1+s19], $0x80, s17, s19, $0xb8;
	[tilespmem:$0x1FD00] =	vst v63  }
0x72: {  	_ =	swait.ge [sflag:s22], $0x5C00  }
0x73: {  	[sflag:s22] =	ssyncset.done $0x0  }
0x74: {  	[sflag:s22] =	ssyncadd.s32 $0xFFFFA400  }
0x75: {  	[spmem:s2] =	stream.indirect.scatter.add.f32 [tilespmem:s20], [sflag:$0x3], $0x80, s16, s19, $0xb8;
	[tilespmem:$0x1FD00] =	vst v63  }
0x76: {  	_ =	swait.ge [sflag:s15], $0x5C00  }
0x77: {  	[sflag:s15] =	ssyncset.done $0x0  }
0x78: {  	[sflag:s15] =	ssyncadd.s32 $0xFFFFA400  }
0x79: {  	_ =	swait.ge [sflag:s23], $0x5C00  }
0x7a: {  	[sflag:s23] =	ssyncset.done $0x0  }
0x7b: {  	[sflag:s23] =	ssyncadd.s32 $0xFFFFA400  }
0x7c: {  	[spmem:s2] =	stream.indirect.scatter.add.f32 [tilespmem:s21], [sflag:$0x3], $0x80, s18, s19, $0xb8;
	[tilespmem:$0x1FD00] =	vst v63  }
0x7d: {  	_ =	swait.ge [sflag:s15], $0x5C00  }
0x7e: {  	[sflag:s15] =	ssyncset.done $0x0  }
0x7f: {  	[sflag:s15] =	ssyncadd.s32 $0xFFFFA400  }
0x80: {  	[tilespmem:s25], [sflag:$0x3] =	stream.linear.gather [hbm4b:s7+s3], $0x40, $0x38;
	[tilespmem:$0x1FD00] =	vst v63  }
0x81: {  	_ =	swait.ge [sflag:s15], $0x40  }
0x82: {  	[sflag:s15] =	ssyncset.done $0x0  }
0x83: {  	[sflag:s15] =	ssyncadd.s32 $0xFFFFFFC0  }
0x84: {  	[tilespmem:s26], [sflag:$0x3] =	stream.linear.gather [hbm4b:s8+s3], $0x40, $0x38;
	[tilespmem:$0x1FD00] =	vst v63  }
0x85: {  	_ =	swait.ge [sflag:s15], $0x40  }
0x86: {  	[sflag:s15] =	ssyncset.done $0x0  }
0x87: {  	[sflag:s15] =	ssyncadd.s32 $0xFFFFFFC0  }
0x88: {  	[tilespmem:s20], [sflag:$0x1] =	stream.indirect.gather [hbm4b:s1+s28], $0x80, s25, s28, $0xb8;
	[tilespmem:$0x1FD00] =	vst v63  }
0x89: {  	_ =	swait.ge [sflag:s22], $0x2000  }
0x8a: {  	[sflag:s22] =	ssyncset.done $0x0  }
0x8b: {  	[sflag:s22] =	ssyncadd.s32 $0xFFFFE000  }
0x8c: {  	[spmem:s2] =	stream.indirect.scatter.add.f32 [tilespmem:s20], [sflag:$0x3], $0x80, s26, s28, $0xb8;
	[tilespmem:$0x1FD00] =	vst v63  }
0x8d: {  	_ =	swait.ge [sflag:s15], $0x2000  }
0x8e: {  	s29 =	sadd.s32 $0x1, s29;
	[sflag:s15] =	ssyncset.done $0x0  }
0x8f: {  	p0 =	sne.s32 s29, s9;
	[sflag:s15] =	ssyncadd.s32 $0xFFFFE000  }
.Ltmp1:
0x90: {  	[bflag:$0x0] =	sbarrier.arrive $0xFFFF;
	(pc) =	sbr.rel @p0 .LBB2_1-.Ltmp1, $4  }
0x91: {  	[hbm:s24], [sflag:s6] =	dma.local [spmem:s14], $0x2800  }
0x92: {  	_ =	swait.ge [sflag:s15], $0x2800  }
0x93: {  	[sflag:s15] =	ssyncset.done $0x0  }
0x94: {  	[sflag:s15] =	ssyncadd.s32 $0xFFFFD800  }
0x95: {  	_ =	sfence.sel $0x180000  }
0x96: {  	[bflag:$0x0] =	sbarrier.arrive $0xFFFF  }
0x97: {  	_ =	strace $0x9000004D  }
0x98: {  	s0 =	stileid.u32;
	[bflag:$0x2] =	sbarrier.arrive $0xFFFF  }
0x99: {  	p0 =	sne.s32 s0, $0x0;
	s0 =	rddreg [dreg:$0x3]  }
0x9a: {  	s0 =	sadd.s32 @!p0 $0x100000, s0  }
0x9b: {  	[sflag:s0] =	ssyncadd.tile.s32 @!p0 $0x1;
	_ =	shalt  }
.Lfunc_end2:
_tile_overlayer_lowered:
.L_overlay_start_2:
0x9c: {  	(tag) =	ssettag $0x2  }
0x9d: {  	s0 =	rddreg [dreg:$0x0];
	s2 =	stileid.u32  }
0x9e: {  	s1 =	rddreg [dreg:$0x1];
	p0 =	sne.s32 s2, $0x0  }
0x9f: {  	s3 =	rddreg [dreg:$0x2];
	[bflag:$0x3] =	sbarrier.arrive $0xFFFF;
	s2 =	simm.s32 @!p0 $0x1C03  }
0xa0: {  	[timem:s3], [sflag:s2] =	dma.local @!p0 [hbm:s0], s1  }
0xa1: {  	s0 =	simm.s32 @!p0 $0x3  }
0xa2: {  	_ =	swait.ge @!p0 [sflag:s0], s1  }
0xa3: {  	s1 =	ssub.s32 @!p0 $0x0, s1;
	[sflag:s0] =	ssyncset.done @!p0 $0x0  }
0xa4: {  	[sflag:s0] =	ssyncadd.s32 @!p0 s1  }
0xa5: {  	[bflag:$0x3] =	sbarrier.arrive $0xFFFF  }
0xa6: {  	_ =	shalt  }

// kernel: kernel.8.cloned.1.call-start
scs
__scs_entry_jumppad:
0x0: {  	(pc) =	sbr.rel $0x88, $3  }
0x1: {  	(tag) =	ssettag $0x0;
	lr =	simm.s32 $0x1  }
0x2: {  	[smem:$0x3F9B] =	sst lr;
	_ =	strace $0xD0000000  }
0x3: {  	_ = 	snop  }
0x4: {  	_ = 	snop  }
0x5: {  	_ = 	snop  }
0x6: {  	_ = 	snop  }
0x7: {  	_ = 	snop  }
__scs_overlays_trampoline_lowered:
0x8: {  	[smem:$0x3FAA] =	sst s0  }
0x9: {  	[smem:$0x3FAB] =	sst s1  }
0xa: {  	[smem:$0x3FAC] =	sst s2  }
0xb: {  	[smem:$0x3FAD] =	sst s3  }
0xc: {  	[smem:$0x3FAE] =	sst s4  }
0xd: {  	[smem:$0x3FAF] =	sst s5  }
0xe: {  	[smem:$0x3FB0] =	sst s6  }
0xf: {  	[smem:$0x3FB1] =	sst s7  }
0x10: {  	[smem:$0x3FB2] =	sst s8  }
0x11: {  	[smem:$0x3FB3] =	sst s9;
	s0 =	simm.s32 @!p0 $0x0  }
0x12: {  	s1 =	sld [smem:$0x3F99];
	s0 =	simm.s32 @p0 $0x1  }
0x13: {  	[smem:$0x3FB4] =	sst s0;
	s0 =	simm.s32 @!p1 $0x0  }
0x14: {  	s2 =	sld [smem:$0x3F98];
	s0 =	simm.s32 @p1 $0x1  }
0x15: {  	[smem:$0x3FB5] =	sst s0;
	s0 =	simm.s32 @!p2 $0x0  }
0x16: {  	s3 =	sld [smem:$0x3FDB];
	s0 =	simm.s32 @p2 $0x1  }
0x17: {  	s4 =	simm.s32 $0x1BF5;
	[smem:$0x3FB7] =	sst s0  }
0x18: {  	s0 =	sld [smem:$0x3F9A];
	_ =	swait.ge [sflag:s4], $0x0  }
0x19: {  	s7 =	sld [smem:$0x3F9B]  }
0x1a: {  	s8 =	sadd.s32 $0xFFFFE003, lr  }
0x1b: {  	s9 =	sadd.s32 $0xFFFFFEF7, lr;
	s5 =	simm.s32 $0xFFFFFFFF;
	p2 =	slt.u32 s8, $0xFFFFF086  }
0x1c: {  	p1 =	slt.u32 s9, $0xF7A;
	s5 =	simm.s32 @!p2 $0x0  }
0x1d: {  	s5 =	simm.s32 @p1 $0x1;
	p0 =	seq.s32 s7, s2  }
0x1e: {  	s7 =	smul.u32 @!p0 $0xF7A, s2;
	p2 =	seq.s32 @!p0 s5, $0x0  }
0x1f: {  	s9 =	smul.u32 $0xF7A, s1;
	s8 =	simm.s32 @!p0 $0x1BF5;
	p2 =	por !p2, p0  }
0x20: {  	[sflag:s8] =	ssyncset.s32 @!p0 $0xFFFFF086;
	s6 =	sadd.s32 @!p0 s3, s7;
	s7 =	simm.s32 @!p0 $0x108  }
0x21: {  	s3 =	sadd.s32 s3, s9;
	s6 =	sadd.s32 @!p0 $0x88, s6;
	s7 =	simm.s32 @p2 $0x1082  }
0x22: {  	[simem:s7], [sflag:s8] =	dma.local @!p0 [hbm:s6], $0xF7A  }
0x23: {  	s9 =	sor.u32 $0xD0000000, s2;
	s6 =	simm.s32 $0x108;
	_ =	swait.ge @!p0 [sflag:s8], $0x0  }
0x24: {  	s3 =	sadd.s32 $0x88, s3;
	s6 =	simm.s32 @!p1 $0x1082;
	[sflag:s4] =	ssyncset.s32 $0xFFFFF086  }
0x25: {  	[simem:s6], [sflag:s4] =	dma.local [hbm:s3], $0xF7A  }
0x26: {  	[smem:$0x3F9B] =	sst s1;
	(tag) =	ssettag s2;
	_ =	strace s9  }
0x27: {  	s1 =	sld [smem:$0x3FAB]  }
0x28: {  	s2 =	sld [smem:$0x3FAC]  }
0x29: {  	s4 =	sld [smem:$0x3FAE]  }
0x2a: {  	p0 =	seq.s32 s5, $0x0;
	s5 =	sld [smem:$0x3FAF]  }
0x2b: {  	s6 =	sld [smem:$0x3FB0]  }
0x2c: {  	s7 =	sld [smem:$0x3FB1]  }
0x2d: {  	s3 =	simm.s32 $0x108;
	s8 =	sld [smem:$0x3FB2]  }
0x2e: {  	s3 =	simm.s32 @!p0 $0x1082;
	s9 =	sld [smem:$0x3FB3]  }
0x2f: {  	lr =	sadd.s32 s0, s3;
	s0 =	sld [smem:$0x3FAA]  }
0x30: {  	s3 =	sld [smem:$0x3FAD]  }
0x31: {  	[smem:$0x3FB6] =	sst s10  }
0x32: {  	s10 =	sld [smem:$0x3FB4];
	_ =	sdelay $0x3  }
0x33: {  	p0 =	seq.s32 s10, $0x1;
	s10 =	sld [smem:$0x3FB6];
	_ =	sdelay $0x3  }
0x34: {  	[smem:$0x3FB6] =	sst s10  }
0x35: {  	s10 =	sld [smem:$0x3FB5];
	_ =	sdelay $0x3  }
0x36: {  	p1 =	seq.s32 s10, $0x1;
	s10 =	sld [smem:$0x3FB6];
	_ =	sdelay $0x3  }
0x37: {  	[smem:$0x3FB6] =	sst s10  }
0x38: {  	s10 =	sld [smem:$0x3FB7]  }
0x39: {  	_ = 	snop;
	(pc) =	sbr.ind lr, $3  }
0x3a: {  	_ = 	snop  }
0x3b: {  	_ = 	snop  }
0x3c: {  	p2 =	seq.s32 s10, $0x1;
	s10 =	sld [smem:$0x3FB6]  }
0x3d: {  	_ =	shalt  }
0x3e: {  	_ =	shalt  }
0x3f: {  	_ =	shalt  }
0x40: {  	_ =	shalt  }
0x41: {  	_ =	shalt  }
0x42: {  	_ =	shalt  }
0x43: {  	_ =	shalt  }
0x44: {  	_ =	shalt  }
0x45: {  	_ =	shalt  }
0x46: {  	_ =	shalt  }
0x47: {  	_ =	shalt  }
0x48: {  	_ =	shalt  }
0x49: {  	_ =	shalt  }
0x4a: {  	_ =	shalt  }
0x4b: {  	_ =	shalt  }
0x4c: {  	_ =	shalt  }
0x4d: {  	_ =	shalt  }
0x4e: {  	_ =	shalt  }
0x4f: {  	_ =	shalt  }
0x50: {  	_ =	shalt  }
0x51: {  	_ =	shalt  }
0x52: {  	_ =	shalt  }
0x53: {  	_ =	shalt  }
0x54: {  	_ =	shalt  }
0x55: {  	_ =	shalt  }
0x56: {  	_ =	shalt  }
0x57: {  	_ =	shalt  }
0x58: {  	_ =	shalt  }
0x59: {  	_ =	shalt  }
0x5a: {  	_ =	shalt  }
0x5b: {  	_ =	shalt  }
0x5c: {  	_ =	shalt  }
0x5d: {  	_ =	shalt  }
0x5e: {  	_ =	shalt  }
0x5f: {  	_ =	shalt  }
0x60: {  	_ =	shalt  }
0x61: {  	_ =	shalt  }
0x62: {  	_ =	shalt  }
0x63: {  	_ =	shalt  }
0x64: {  	_ =	shalt  }
0x65: {  	_ =	shalt  }
0x66: {  	_ =	shalt  }
0x67: {  	_ =	shalt  }
0x68: {  	_ =	shalt  }
0x69: {  	_ =	shalt  }
0x6a: {  	_ =	shalt  }
0x6b: {  	_ =	shalt  }
0x6c: {  	_ =	shalt  }
0x6d: {  	_ =	shalt  }
0x6e: {  	_ =	shalt  }
0x6f: {  	_ =	shalt  }
0x70: {  	_ =	shalt  }
0x71: {  	_ =	shalt  }
0x72: {  	_ =	shalt  }
0x73: {  	_ =	shalt  }
0x74: {  	_ =	shalt  }
0x75: {  	_ =	shalt  }
0x76: {  	_ =	shalt  }
0x77: {  	_ =	shalt  }
0x78: {  	_ =	shalt  }
0x79: {  	_ =	shalt  }
0x7a: {  	_ =	shalt  }
0x7b: {  	_ =	shalt  }
0x7c: {  	_ =	shalt  }
0x7d: {  	_ =	shalt  }
0x7e: {  	_ =	shalt  }
0x7f: {  	_ =	shalt  }
0x80: {  	_ =	shalt  }
0x81: {  	_ =	shalt  }
0x82: {  	_ =	shalt  }
0x83: {  	_ =	shalt  }
0x84: {  	_ =	shalt  }
0x85: {  	_ =	shalt  }
0x86: {  	_ =	shalt  }
0x87: {  	_ =	shalt  }
.Lfunc_end0:
.L_simem_size_0:
called_computation_lowered:
.L_overlay_start_0:
0x88: {  	s2 =	sld [smem:$0x3FD9]  }
0x89: {  	s3 =	sld [smem:$0x3FFE];
	_ =	sdelay $0x1  }
0x8a: {  	s1 =	srdreg.scid  }
0x8b: {  	s0 =	sand.u32 $0x1, s1  }
0x8c: {  	s17 =	sshll.u32 s0, $0xA;
	s2 =	sadd.s32 s3, s2  }
0x8d: {  	s2 =	sadd.s32 s2, s17  }
0x8e: {  	[smem:$0x3FC2] =	sst s2  }
0x8f: {  	_ = 	snop  }
0x90: {  	s2 =	sld [smem:$0x3FD0];
	(tm) =	ssettm $0x1  }
0x91: {  	s18 =	sld [smem:$0x3FFB];
	_ =	sdelay $0x3  }
0x92: {  	_ =	strace s18  }
0x93: {  	s3 =	sld [smem:$0x3FFC];
	_ =	sdelay $0x3  }
0x94: {  	_ =	strace s3  }
0x95: {  	s3 =	sld [smem:$0x3FFD];
	_ =	sdelay $0x3  }
0x96: {  	_ =	strace s3  }
0x97: {  	_ =	strace $0x8FFFFFFF  }
0x98: {  	s19 =	sld [smem:$0x3FDB];
	_ =	sdelay $0x1  }
0x99: {  	s4 =	simm.s32 $_scs_section_size  }
0x9a: {  	s5 =	simm.s32 $_size__tile_overlayer_lowered;
	s6 =	simm.s32 $_tile_overlayer_lowered  }
0x9b: {  	s22 =	simm.s32 $0x1BFF;
	s21 =	sshll.u32 s6, $0x1;
	s3 =	sadd.s32 s4, s19  }
0x9c: {  	s7 =	simm.s32 $0x0;
	s20 =	sshll.u32 s5, $0x1;
	s5 =	sadd.s32 s21, s3  }
0x9d: {  	[timem:s7], [sflag:s22] =	dma.local [hbm:s5], s20  }
0x9e: {  	_ =	swait.ge [sflag:s22], s20  }
0x9f: {  	s4 =	ssub.s32 $0x0, s20;
	[sflag:s22] =	ssyncset.done $0x0  }
0xa0: {  	[sflag:s22] =	ssyncadd.s32 s4;
	_ =	sdelay $0x1  }
0xa1: {  	s23 =	simm.s32 $0x1B8B  }
0xa2: {  	_ =	swait.ge [sflag:s23], $0x1  }
0xa3: {  	[sflag:s23] =	ssyncset.done $0x0  }
0xa4: {  	s25 =	simm.s32 $0x1B8E;
	s24 =	sld [smem:$0x3FFE];
	[sflag:s23] =	ssyncadd.s32 $0xFFFFFFFF  }
0xa5: {  	s26 =	simm.s32 $execute0_lowered;
	[smem:$0x3FD2] =	sst s25  }
0xa6: {  	s5 =	sshll.u32 s26, $0x1;
	_ =	strace $0x80000046;
	[dreg:$0x1] =	wrdreg $0xFFFFFFFF  }
0xa7: {  	s28 =	simm.s32 $_size_execute0_lowered;
	s3 =	sadd.s32 s3, s5;
	[dreg:$0x0] =	wrdreg $0x0  }
0xa8: {  	s5 =	sshll.u32 s28, $0x1;
	[dreg:$0x2] =	wrdreg s3  }
0xa9: {  	[dreg:$0x3] =	wrdreg s5  }
0xaa: {  	[dreg:$0x4] =	wrdreg $0xC0  }
0xab: {  	_ =	task [dreg:s7], $0x5FFFF  }
0xac: {  	[dreg:$0x1] =	wrdreg $0xFFFFFFFF  }
0xad: {  	[dreg:$0x0] =	wrdreg $0x60  }
0xae: {  	[dreg:$0x2] =	wrdreg s24  }
0xaf: {  	[dreg:$0x3] =	wrdreg s2  }
0xb0: {  	[dreg:$0x4] =	wrdreg $0x65000  }
0xb1: {  	[dreg:$0x5] =	wrdreg $0x9  }
0xb2: {  	_ =	task.clear_ibuf [dreg:s7], $0x6FFFF;
	_ =	strace $0x90000046  }
0xb3: {  	s29 =	simm.s32 $0x9;
	_ =	strace $0x80000048  }
0xb4: {  	_ =	swait.ge [sflag:s29], $0x1  }
0xb5: {  	[sflag:s29] =	ssyncadd.s32 $0xFFFFFFFF  }
0xb6: {  	_ =	strace $0x90000048  }
0xb7: {  	_ =	sfence  }
0xb8: {  	s30 =	sld [smem:$0x0];
	_ =	sdelay $0x2  }
0xb9: {  	s31 =	sshll.u32 s1, $0xD;
	s1 =	sshrl.u32 s1, $0x2  }
0xba: {  	s3 =	sand.u32 $0x4000, s31;
	s1 =	sadd.s32 s1, s30  }
0xbb: {  	s0 =	sor.u32 s3, s0;
	s1 =	sshll.u32 s1, $0x11  }
0xbc: {  	s0 =	sor.u32 s1, s0  }
0xbd: {  	s0 =	sadd.s32 $0x8F2B, s0  }
0xbe: {  	[sflag:s0] =	ssyncadd.remote.s32 $0x1  }
0xbf: {  	_ =	sfence.sel $0xFFFF  }
0xc0: {  	[dreg:$0x0] =	wrdreg $0xFFFFFFFF;
	(pc) =	sbr.abs _section_cstart, $3  }
0xc1: {  	[dreg:$0x1] =	wrdreg $0xFFFFFFFF  }
0xc2: {  	_ =	task.clear_ibuf [dreg:s7], $0x2FFFF;
	_ =	strace $0x9FFFFFFF  }
0xc3: {  	(tm) =	ssettm $0x7FFFFFFF  }
tec
execute0_lowered:
.L_overlay_start_1:
0x0: {  	(tag) =	ssettag $0x1  }
0x1: {  	s6 =	rddreg [dreg:$0x0]  }
0x2: {  	s2 =	rddreg [dreg:$0x1]  }
0x3: {  	s0 =	srdreg.scid;
	s3 =	rddreg [dreg:$0x2]  }
0x4: {  	s1 =	rddreg [dreg:$0x3];
	s5 =	sand.u32 $0x1, s0  }
0x5: {  	s4 =	simm.s32 $0x0;
	s0 =	stileid.u32;
	s7 =	smul.u32 $0x27100, s5  }
0x6: {  	s12 =	simm.s32 $0xC8;
	[smem:$0x7FF] =	sst s4;
	s8 =	smul.u32 $0x2710, s0  }
0x7: {  	_ =	strace $0x80000047;
	s26 =	smul.u32 $0x28000, s5;
	s28 =	ssub.s32 $0x2, s5  }
0x8: {  	s10 =	smul.u32 $0x50000, s0;
	s5 =	sadd.s32 $0x16000, s6;
	s31 =	sshll.u32 s0, $0x6  }
0x9: {  	s14 =	smul.u32 $0x2800, s0;
	s29 =	sshrl.u32 s28, $0x1;
	s7 =	sadd.s32 s8, s7  }
0xa: {  	s8 =	sadd.s32 s26, s6;
	s30 =	sshrl.u32 s10, $0x2;
	s10 =	simm.s32 $0x1  }
0xb: {  	s7 =	sshrl.u32 s7, $0x3;
	s11 =	sadd.s32 s30, s3;
	s13 =	sadd.s32 $0x16E00, s8  }
0xc: {  	s9 =	sadd.s32 s7, s6;
	s7 =	ssub.s32 s28, s29;
	s6 =	sor.u32 $0x1C01, s31  }
0xd: {  	s13 =	sadd.s32 s14, s13;
	s14 =	simm.s32 $0x0;
	s7 =	smax.u32 s7, $0x1  }
0xe: {  	s8 =	sadd.s32 $0xC200, s9;
	s9 =	sshrl.u32 s11, $0x3;
	s11 =	simm.s32 $0x100  }
.LBB2_1:
0xf: {  	[spmem:s9], [sflag:s6] =	dma.local [hbm:s2], $0x2800  }
0x10: {  	_ =	swait.ge [sflag:s10], $0x2800  }
0x11: {  	[sflag:s10] =	ssyncset.done $0x0  }
0x12: {  	[sflag:s10] =	ssyncadd.s32 $0xFFFFD800  }
0x13: {  	[tilespmem:s11], [sflag:$0x1] =	stream.linear.gather [hbm4b:s5+s4], $0x6400, $0x38;
	[tilespmem:$0x8D00] =	vst v63  }
0x14: {  	_ =	swait.ge [sflag:s10], $0x6400  }
0x15: {  	[sflag:s10] =	ssyncset.done $0x0  }
0x16: {  	[sflag:s10] =	ssyncadd.s32 $0xFFFF9C00  }
0x17: {  	s15 =	sadd.s32 $0x0, s8;
	[bflag:$0x0] =	sbarrier.arrive $0xFFFF  }
0x18: {  	[tilespmem:s4], [sflag:$0x1] =	stream.linear.gather [hbm4b:s15+s4], $0xC8, $0x38;
	[tilespmem:$0x8D00] =	vst v63  }
0x19: {  	_ =	swait.ge [sflag:s10], $0xC8  }
0x1a: {  	[sflag:s10] =	ssyncset.done $0x0  }
0x1b: {  	[sflag:s10] =	ssyncadd.s32 $0xFFFFFF38  }
0x1c: {  	[spmem:s3] =	stream.indirect.scatter.add.f32 [tilespmem:s11], [sflag:$0x1], $0x10, s4, s12, $0xb8;
	[tilespmem:$0x8D00] =	vst v63  }
0x1d: {  	_ =	swait.ge [sflag:s10], $0xC80  }
0x1e: {  	s16 =	simm.s32 $0x32;
	s15 =	simm.s32 $0x19;
	[sflag:s10] =	ssyncset.done $0x0  }
.LBB2_2:
0x1f: {  	s17 =	sadd.s32 s15, s8  }
0x20: {  	[sflag:s10] =	ssyncadd.s32 $0xFFFFF380;
	s15 =	smov.u32 s16;
	s18 =	sadd.s32 $0x19, s16  }
0x21: {  	[tilespmem:s4], [sflag:$0x1] =	stream.linear.gather [hbm4b:s17+s4], $0xC8, $0x38;
	[tilespmem:$0x8D00] =	vst v63  }
0x22: {  	p0 =	sne.s32 s16, $0x4C9;
	_ =	swait.ge [sflag:s10], $0xC8  }
.Ltmp0:
0x23: {  	[sflag:s10] =	ssyncset.done $0x0;
	(pc) =	sbr.rel @p0 .LBB2_2-.Ltmp0, $4  }
0x24: {  	[sflag:s10] =	ssyncadd.s32 $0xFFFFFF38  }
0x25: {  	[spmem:s3] =	stream.indirect.scatter.add.f32 [tilespmem:s11], [sflag:$0x1], $0x10, s4, s12, $0xb8;
	[tilespmem:$0x8D00] =	vst v63  }
0x26: {  	_ =	swait.ge [sflag:s10], $0xC80  }
0x27: {  	s16 =	smov.u32 s18;
	[sflag:s10] =	ssyncset.done $0x0  }
0x28: {  	s15 =	sadd.s32 s15, s8;
	[sflag:s10] =	ssyncadd.s32 $0xFFFFF380  }
0x29: {  	[tilespmem:s4], [sflag:$0x1] =	stream.linear.gather [hbm4b:s15+s4], $0xC8, $0x38;
	[tilespmem:$0x8D00] =	vst v63  }
0x2a: {  	_ =	swait.ge [sflag:s10], $0xC8  }
0x2b: {  	[sflag:s10] =	ssyncset.done $0x0  }
0x2c: {  	[sflag:s10] =	ssyncadd.s32 $0xFFFFFF38  }
0x2d: {  	[spmem:s3] =	stream.indirect.scatter.add.f32 [tilespmem:s11], [sflag:$0x1], $0x10, s4, s12, $0xb8;
	[tilespmem:$0x8D00] =	vst v63  }
0x2e: {  	_ =	swait.ge [sflag:s10], $0xC80  }
0x2f: {  	s14 =	sadd.s32 $0x1, s14;
	[sflag:s10] =	ssyncset.done $0x0  }
0x30: {  	p0 =	sne.s32 s14, s7;
	[sflag:s10] =	ssyncadd.s32 $0xFFFFF380  }
.Ltmp1:
0x31: {  	[bflag:$0x0] =	sbarrier.arrive $0xFFFF;
	(pc) =	sbr.rel @p0 .LBB2_1-.Ltmp1, $4  }
0x32: {  	[hbm:s13], [sflag:s6] =	dma.local [spmem:s9], $0x2800  }
0x33: {  	_ =	swait.ge [sflag:s10], $0x2800  }
0x34: {  	[sflag:s10] =	ssyncset.done $0x0  }
0x35: {  	[sflag:s10] =	ssyncadd.s32 $0xFFFFD800  }
0x36: {  	_ =	sfence.sel $0x180000  }
0x37: {  	[bflag:$0x0] =	sbarrier.arrive $0xFFFF  }
0x38: {  	p0 =	sne.s32 s0, $0x0;
	_ =	strace $0x90000047  }
0x39: {  	s0 =	sadd.s32 @!p0 $0x100000, s1;
	[bflag:$0x2] =	sbarrier.arrive $0xFFFF  }
0x3a: {  	[sflag:s0] =	ssyncadd.tile.s32 @!p0 $0x1;
	_ =	shalt  }
.Lfunc_end2:
_tile_overlayer_lowered:
.L_overlay_start_2:
0x3b: {  	(tag) =	ssettag $0x2  }
0x3c: {  	s0 =	rddreg [dreg:$0x0];
	s2 =	stileid.u32  }
0x3d: {  	s1 =	rddreg [dreg:$0x1];
	p0 =	sne.s32 s2, $0x0  }
0x3e: {  	s3 =	rddreg [dreg:$0x2];
	[bflag:$0x3] =	sbarrier.arrive $0xFFFF;
	s2 =	simm.s32 @!p0 $0x1C01  }
0x3f: {  	[timem:s3], [sflag:s2] =	dma.local @!p0 [hbm:s0], s1  }
0x40: {  	s0 =	simm.s32 @!p0 $0x1  }
0x41: {  	_ =	swait.ge @!p0 [sflag:s0], s1  }
0x42: {  	s1 =	ssub.s32 @!p0 $0x0, s1;
	[sflag:s0] =	ssyncset.done @!p0 $0x0  }
0x43: {  	[sflag:s0] =	ssyncadd.s32 @!p0 s1  }
0x44: {  	[bflag:$0x3] =	sbarrier.arrive $0xFFFF  }
0x45: {  	_ =	shalt  }

</sc_bundles>
